<compile_context>
chip_gen: v7x
topology: tpu7x:2x2x1
jax: 0.10.2.dev20260603
libtpu: 0.0.44.dev20260713+nightly
codegen_flags: <defaults>
</compile_context>

<pallas_src>
import functools

import jax
import jax.numpy as jnp
from jax import lax
from jax.experimental import pallas as pl
from jax.experimental.pallas import tpu as pltpu
from jax.experimental.pallas import tpu_sc as plsc

N = 10000
E = 320000
NODE_DIM = 128
EDGE_DIM = 16
H = 128

NC = 2
NS = 16
NW = NC * NS

SUB_S = 80
NCH_W = E // SUB_S // NW


def _gelu(x):
    return 0.5 * x * (1.0 + lax.erf(x * 0.7071067811865476))


def _bn(x, g, b, m, v, eps=1e-3):
    return (x - m) * (g * lax.rsqrt(v + eps)) + b



def _node_embed_body(x_ref, g1, b1, m1, v1, w1, c1, g2, b2, m2, v2, w2, c2,
                     o_ref):
    h = _bn(x_ref[...], g1[...], b1[...], m1[...], v1[...])
    h = _gelu(jnp.dot(h, w1[...], preferred_element_type=jnp.float32) + c1[...])
    h = _bn(h, g2[...], b2[...], m2[...], v2[...])
    h = _gelu(jnp.dot(h, w2[...], preferred_element_type=jnp.float32) + c2[...])
    o_ref[...] = h


def _node_embed_tc(x, p, block_rows):
    rows, d_in = x.shape
    grid = rows // block_rows
    vecs = [p[k].reshape(1, -1) for k in
            ("g1", "b1", "m1", "v1")] + [p["W1"], p["c1"].reshape(1, -1)] + \
           [p[k].reshape(1, -1) for k in ("g2", "b2", "m2", "v2")] + \
           [p["W2"], p["c2"].reshape(1, -1)]
    full = pl.BlockSpec(index_map=lambda i: (0, 0))
    in_specs = [pl.BlockSpec((block_rows, d_in), lambda i: (i, 0))] + \
               [full] * len(vecs)
    return pl.pallas_call(
        _node_embed_body,
        grid=(grid,),
        in_specs=in_specs,
        out_specs=pl.BlockSpec((block_rows, H), lambda i: (i, 0)),
        out_shape=jax.ShapeDtypeStruct((rows, H), jnp.float32),
    )(x, *vecs)


def _edge_mul_body(ea_ref, w1, b1, w2, b2, gath_ref, o_ref):
    h = _gelu(jnp.dot(ea_ref[...], w1[...], preferred_element_type=jnp.float32)
              + b1[...])
    h = _gelu(jnp.dot(h, w2[...], preferred_element_type=jnp.float32) + b2[...])
    o_ref[...] = h * gath_ref[...]


def _edge_embed_mul_tc(edge_attr, p, gathered, block_rows):
    grid = E // block_rows
    full = pl.BlockSpec(index_map=lambda i: (0, 0))
    return pl.pallas_call(
        _edge_mul_body,
        grid=(grid,),
        in_specs=[pl.BlockSpec((block_rows, EDGE_DIM), lambda i: (i, 0)),
                  full, full, full, full,
                  pl.BlockSpec((block_rows, H), lambda i: (i, 0))],
        out_specs=pl.BlockSpec((block_rows, H), lambda i: (i, 0)),
        out_shape=jax.ShapeDtypeStruct((E, H), jnp.float32),
    )(edge_attr, p["W1"], p["b1"].reshape(1, -1), p["W2"],
      p["b2"].reshape(1, -1), gathered)


def _final_body(x_ref, s_ref, c_ref, g1, b1, m1, v1, w1, c1, g2, b2, m2, v2,
                w2, c2, o_ref):
    sums = s_ref[0] + s_ref[1]
    cnt = (c_ref[0] + c_ref[1])[:, 0:1]
    agg = sums / jnp.maximum(cnt, 1.0)
    h = jnp.concatenate([x_ref[...], agg], axis=1)
    h = _bn(h, g1[...], b1[...], m1[...], v1[...])
    h = _gelu(jnp.dot(h, w1[...], preferred_element_type=jnp.float32) + c1[...])
    h = _bn(h, g2[...], b2[...], m2[...], v2[...])
    h = _gelu(jnp.dot(h, w2[...], preferred_element_type=jnp.float32) + c2[...])
    o_ref[...] = h


def _final_tc(x, part_sums, part_cnt, p, block_rows):
    grid = N // block_rows
    vecs = [p[k].reshape(1, -1) for k in
            ("g1", "b1", "m1", "v1")] + [p["W1"], p["c1"].reshape(1, -1)] + \
           [p[k].reshape(1, -1) for k in ("g2", "b2", "m2", "v2")] + \
           [p["W2"], p["c2"].reshape(1, -1)]
    full = pl.BlockSpec(index_map=lambda i: (0, 0))
    in_specs = [pl.BlockSpec((block_rows, NODE_DIM), lambda i: (i, 0)),
                pl.BlockSpec((NC, block_rows, H), lambda i: (0, i, 0)),
                pl.BlockSpec((NC, block_rows, H), lambda i: (0, i, 0))] + \
               [full] * len(vecs)
    return pl.pallas_call(
        _final_body,
        grid=(grid,),
        in_specs=in_specs,
        out_specs=pl.BlockSpec((block_rows, H), lambda i: (i, 0)),
        out_shape=jax.ShapeDtypeStruct((N, H), jnp.float32),
    )(x, part_sums, part_cnt, *vecs)



@functools.cache
def _sc_kernels():
    mesh = plsc.VectorSubcoreMesh(core_axis_name="c", subcore_axis_name="s",
                                  num_cores=NC, num_subcores=NS)

    NMB = N // SUB_S

    @functools.partial(
        pl.kernel,
        out_type=jax.ShapeDtypeStruct((E, H), jnp.float32),
        mesh=mesh,
        scratch_types=[
            pltpu.VMEM((NCH_W, SUB_S), jnp.int32),
            pltpu.VMEM((2, SUB_S, H), jnp.float32),
            pltpu.VMEM_SHARED((N, H), jnp.float32),
            pltpu.SemaphoreType.DMA,
        ],
    )
    def _sc_gather(nm_hbm, dstp_hbm, out_hbm, idx_v, rows_v, nm_sh, sem):
        cid = lax.axis_index("c")
        sid = lax.axis_index("s")
        wid = cid * NS + sid

        pltpu.sync_copy(dstp_hbm.at[wid], idx_v)

        def _stage(i, carry):
            k = i * NS + sid

            @pl.when(k < NMB)
            def _():
                pltpu.sync_copy(nm_hbm.at[pl.ds(k * SUB_S, SUB_S)],
                                nm_sh.at[pl.ds(k * SUB_S, SUB_S)])

            return carry

        lax.fori_loop(0, -(-NMB // NS), _stage, 0)
        plsc.subcore_barrier()

        pltpu.async_copy(nm_sh.at[idx_v.at[0]], rows_v.at[0], sem)

        def body(k, carry):
            b = k % 2

            @pl.when(k + 1 < NCH_W)
            def _():
                pltpu.async_copy(nm_sh.at[idx_v.at[k + 1]],
                                 rows_v.at[1 - b], sem)

            pltpu.make_async_copy(nm_hbm.at[pl.ds(0, SUB_S)],
                                  rows_v.at[b], sem).wait()
            e0 = (k * NW + wid) * SUB_S
            pltpu.sync_copy(rows_v.at[b], out_hbm.at[pl.ds(e0, SUB_S)])
            return carry

        lax.fori_loop(0, NCH_W, body, 0)

    @functools.partial(
        pl.kernel,
        out_type=jax.ShapeDtypeStruct((NC, N, H), jnp.float32),
        mesh=mesh,
        scratch_types=[
            pltpu.VMEM((NCH_W, SUB_S), jnp.int32),
            pltpu.VMEM((2, SUB_S, H), jnp.float32),
            pltpu.VMEM_SHARED((N, H), jnp.float32),
            pltpu.SemaphoreType.DMA,
        ],
    )
    def _sc_scatter(msgs_hbm, srcp_hbm, zrow_hbm,
                    out_s, idx_v, rows_v, acc_sh, sem):
        cid = lax.axis_index("c")
        sid = lax.axis_index("s")
        wid = cid * NS + sid

        pltpu.sync_copy(srcp_hbm.at[wid], idx_v)

        pltpu.sync_copy(zrow_hbm, rows_v.at[0])
        nzb = N // SUB_S

        def _zero(i, carry):
            k = i * NS + sid

            @pl.when(k < nzb)
            def _():
                pltpu.sync_copy(rows_v.at[0],
                                acc_sh.at[pl.ds(k * SUB_S, SUB_S)])

            return carry

        lax.fori_loop(0, -(-nzb // NS), _zero, 0)
        plsc.subcore_barrier()

        pltpu.async_copy(msgs_hbm.at[pl.ds(wid * SUB_S, SUB_S)],
                         rows_v.at[0], sem)

        def body(k, carry):
            b = k % 2

            @pl.when(k + 1 < NCH_W)
            def _():
                e1 = ((k + 1) * NW + wid) * SUB_S
                pltpu.async_copy(msgs_hbm.at[pl.ds(e1, SUB_S)],
                                 rows_v.at[1 - b], sem)

            pltpu.make_async_copy(msgs_hbm.at[pl.ds(0, SUB_S)],
                                  rows_v.at[b], sem).wait()
            pltpu.sync_copy(rows_v.at[b], acc_sh.at[idx_v.at[k]], add=True)
            return carry

        lax.fori_loop(0, NCH_W, body, 0)
        plsc.subcore_barrier()

        @pl.when(sid == 0)
        def _dump():
            pltpu.sync_copy(acc_sh, out_s.at[cid])

    NROWS_C = E // SUB_S
    ITERS_C = NROWS_C // NW
    NZB_C = N // SUB_S

    @functools.partial(
        pl.kernel,
        out_type=jax.ShapeDtypeStruct((NC, N, H), jnp.float32),
        mesh=mesh,
        scratch_types=[
            pltpu.VMEM((SUB_S,), jnp.int32),
            pltpu.VMEM((SUB_S, H), jnp.float32),
            pltpu.VMEM_SHARED((N, H), jnp.float32),
            pltpu.SemaphoreType.DMA,
        ],
    )
    def _sc_count(src_hbm, zrow_hbm, ones_hbm,
                  out_c, idx_v, ones_v, acc_sh, sem):
        cid = lax.axis_index("c")
        sid = lax.axis_index("s")
        wid = cid * NS + sid

        pltpu.sync_copy(zrow_hbm, ones_v)

        def _zero(i, carry):
            k = i * NS + sid

            @pl.when(k < NZB_C)
            def _():
                pltpu.sync_copy(ones_v, acc_sh.at[pl.ds(k * SUB_S, SUB_S)])

            return carry

        lax.fori_loop(0, -(-NZB_C // NS), _zero, 0)

        pltpu.sync_copy(ones_hbm, ones_v)
        plsc.subcore_barrier()

        def body(i, carry):
            r = i * NW + wid
            pltpu.sync_copy(src_hbm.at[pl.ds(r * SUB_S, SUB_S)], idx_v)
            pltpu.sync_copy(ones_v, acc_sh.at[idx_v], add=True)
            return carry

        lax.fori_loop(0, ITERS_C, body, 0)
        plsc.subcore_barrier()

        @pl.when(sid == 0)
        def _dump():
            pltpu.sync_copy(acc_sh, out_c.at[cid])

    return _sc_gather, _sc_scatter, _sc_count



def kernel(x, edge_index, edge_attr, params):
    src = edge_index[0]
    dst = edge_index[1]

    sc_gather, sc_scatter, sc_count = _sc_kernels()

    srcp = src.reshape(NCH_W, NW, SUB_S).transpose(1, 0, 2)
    dstp = dst.reshape(NCH_W, NW, SUB_S).transpose(1, 0, 2)

    nm = _node_embed_tc(x, params["bm"], block_rows=2000)

    gathered = sc_gather(nm, dstp)

    msgs = _edge_embed_mul_tc(edge_attr, params["et"], gathered,
                              block_rows=8000)

    zrow80 = jnp.zeros((SUB_S, H), jnp.float32)
    part_sums = sc_scatter(msgs, srcp, zrow80)

    ones80 = jnp.ones((SUB_S, H), jnp.float32)
    part_cnt = sc_count(src, zrow80, ones80)

    return _final_tc(x, part_sums, part_cnt, params["uf"], block_rows=1000)

# --- scband reference (transcript-rebuilt; emitter-appended) ---
"""Pipeline reference for scband-gnnbase-layer-86500641341823 (READ-ONLY COPY).

The authoritative reference and input builder live on the scoring server;
editing this copy changes nothing except your own understanding.
"""

import jax, jax.numpy as jnp
import numpy as np

N = 10000
E = 320000
NODE_DIM = 128
EDGE_DIM = 16
H = 128


def gelu(x):
    return jax.nn.gelu(x, approximate=False)


def bn(x, g, b, m, v, eps=1e-3):
    return (x - m) / jnp.sqrt(v + eps) * g + b


def node_embed(x, p):
    # NodeEmbeddingLayer: BN -> dropout(identity at inference) -> Dense(gelu) -> BN -> dropout -> Dense(gelu)
    h = bn(x, p["g1"], p["b1"], p["m1"], p["v1"])
    h = gelu(h @ p["W1"] + p["c1"])
    h = bn(h, p["g2"], p["b2"], p["m2"], p["v2"])
    h = gelu(h @ p["W2"] + p["c2"])
    return h


def edge_embed(x, p):
    # EdgeEmbeddingLayer: Dense(gelu) -> dropout(identity) -> Dense(gelu)
    h = gelu(x @ p["W1"] + p["b1"])
    h = gelu(h @ p["W2"] + p["b2"])
    return h


def _node_params(key, d_in, units):
    k1, k2 = jax.random.split(key)
    return {
        "g1": jnp.ones((d_in,), jnp.float32), "b1": jnp.zeros((d_in,), jnp.float32),
        "m1": jnp.zeros((d_in,), jnp.float32), "v1": jnp.ones((d_in,), jnp.float32),
        "W1": (jax.random.normal(k1, (d_in, units)) / np.sqrt(d_in)).astype(jnp.float32),
        "c1": jnp.zeros((units,), jnp.float32),
        "g2": jnp.ones((units,), jnp.float32), "b2": jnp.zeros((units,), jnp.float32),
        "m2": jnp.zeros((units,), jnp.float32), "v2": jnp.ones((units,), jnp.float32),
        "W2": (jax.random.normal(k2, (units, units)) / np.sqrt(units)).astype(jnp.float32),
        "c2": jnp.zeros((units,), jnp.float32),
    }


def _edge_params(key, d_in, units):
    k1, k2 = jax.random.split(key)
    return {
        "W1": (jax.random.normal(k1, (d_in, units)) / np.sqrt(d_in)).astype(jnp.float32),
        "b1": jnp.zeros((units,), jnp.float32),
        "W2": (jax.random.normal(k2, (units, units)) / np.sqrt(units)).astype(jnp.float32),
        "b2": jnp.zeros((units,), jnp.float32),
    }


def setup_inputs(seed: int = 0) -> dict:
    key = jax.random.key(seed)
    ks = jax.random.split(key, 6)
    x = jax.random.normal(ks[0], (N, NODE_DIM), dtype=jnp.float32)
    edge_index = jax.random.randint(ks[1], (2, E), 0, N, dtype=jnp.int32)
    edge_attr = jax.random.normal(ks[2], (E, EDGE_DIM), dtype=jnp.float32)
    params = {
        "bm": _node_params(ks[3], NODE_DIM, H),
        "et": _edge_params(ks[4], EDGE_DIM, H),
        "uf": _node_params(ks[5], NODE_DIM + H, H),
    }
    return {"x": x, "edge_index": edge_index, "edge_attr": edge_attr, "params": params}


def reference(x, edge_index, edge_attr, params):
    # edges: row 0 = node_indices (aggregation targets), row 1 = neighbour_indices
    src = edge_index[0]
    dst = edge_index[1]
    # gather neighbour representations
    neigh = jnp.take(x, dst, axis=0)
    # base messages from neighbour node features
    msgs = node_embed(neigh, params["bm"])
    # modulate by transformed edge features (edge_dim != 0)
    msgs = msgs * edge_embed(edge_attr, params["et"])
    # unsorted_segment_mean aggregation over destination node indices
    sums = jax.ops.segment_sum(msgs, src, num_segments=N)
    cnt = jax.ops.segment_sum(jnp.ones((src.shape[0],), jnp.float32), src, num_segments=N)
    agg = sums / jnp.maximum(cnt, 1.0)[:, None]
    # combination_type == 'concat'
    h = jnp.concatenate([x, agg], axis=-1)
    out = node_embed(h, params["uf"])
    return out

if __name__ == "__main__":
    import jax
    _d = setup_inputs()
    print(jax.jit(kernel)(*tuple(_d.values())))

</pallas_src>

<mosaic_0001>
#map = affine_map<(d0, d1) -> (0)>
#map1 = affine_map<(d0, d1) -> (0, 0)>
#map2 = affine_map<(d0, d1) -> (0, 0, 0)>
module attributes {stable_mosaic.version = 14 : i64} {
  func.func @_sc_count(%arg0: i32, %arg1: i32, %arg2: memref<320000xi32, #tpu.memory_space<hbm>>, %arg3: memref<80x128xf32, #tpu.memory_space<hbm>>, %arg4: memref<80x128xf32, #tpu.memory_space<hbm>>, %arg5: memref<2x10000x128xf32, #tpu.memory_space<hbm>>, %arg6: memref<80xi32, #tpu.memory_space<vmem>>, %arg7: memref<80x128xf32, #tpu.memory_space<vmem>>, %arg8: memref<10000x128xf32, #tpu.memory_space<vmem_shared>>, %arg9: memref<!tpu.dma_semaphore, #tpu.memory_space<semaphore_mem>>) attributes {dimension_semantics = [#tpu.dimension_semantics<core_parallel>, #tpu.dimension_semantics<subcore_parallel>], iteration_bounds = array<i64: 2, 16>, scalar_prefetch = 0 : i64, scratch_operands = 4 : i64, tpu.core_type = #tpu.core_type<sc_vector_subcore>, window_params = [{transform_indices = #map}, {transform_indices = #map1}, {transform_indices = #map1}, {transform_indices = #map2}]} {
    %mul3A = arith.constant 16 : i32
    %mul3A_0 = arith.muli %arg0, %mul3A : i32
    %add3A = arith.addi %mul3A_0, %arg1 : i32
    "tpu.region"() ({
      %run_scoped3A = tpu.sem_alloc : memref<!tpu.dma_semaphore, #tpu.memory_space<semaphore_mem>>
      tpu.enqueue_dma source(%arg3 : memref<80x128xf32, #tpu.memory_space<hbm>>) target(%arg7 : memref<80x128xf32, #tpu.memory_space<vmem>>) target_semaphore(%run_scoped3A : memref<!tpu.dma_semaphore, #tpu.memory_space<semaphore_mem>>)
      tpu.wait_dma2 semaphore(%run_scoped3A : memref<!tpu.dma_semaphore, #tpu.memory_space<semaphore_mem>>) src(%arg3 : memref<80x128xf32, #tpu.memory_space<hbm>>) dst(%arg7 : memref<80x128xf32, #tpu.memory_space<vmem>>)
      tpu.yield
    }) : () -> ()
    %scan3A = arith.constant 0 : i32
    %scan3A_1 = arith.constant 0 : i32
    %scan3A_2 = arith.constant 8 : i32
    %scan3A_3 = arith.addi %scan3A_1, %scan3A_2 : i32
    %scan3A_4 = arith.constant 1 : i32
    scf.for %scan3A_15 = %scan3A_1 to %scan3A_3 step %scan3A_4  : i32 {
      %mul3A_16 = arith.constant 16 : i32
      %mul3A_17 = arith.muli %scan3A_15, %mul3A_16 : i32
      %add3A_18 = arith.addi %mul3A_17, %arg1 : i32
      %lt3A = arith.constant 125 : i32
      %lt3A_19 = arith.cmpi slt, %add3A_18, %lt3A : i32
      %convert_element_type3A_20 = arith.extui %lt3A_19 : i1 to i32
      %cond3A_21 = arith.constant 0 : i32
      %cond3A_22 = arith.cmpi ne, %convert_element_type3A_20, %cond3A_21 : i32
      scf.if %cond3A_22 {
        %mul3A_23 = arith.constant 80 : i32
        %mul3A_24 = arith.muli %add3A_18, %mul3A_23 : i32
        "tpu.region"() ({
          %run_scoped3A = tpu.sem_alloc : memref<!tpu.dma_semaphore, #tpu.memory_space<semaphore_mem>>
          %dma_start3A = arith.constant 0 : i32
          %dma_start3A_25 = tpu.memref_slice %arg8[%mul3A_24, %dma_start3A] : memref<10000x128xf32, #tpu.memory_space<vmem_shared>> -> memref<80x128xf32, #tpu.memory_space<vmem_shared>>
          %dma_start3A_26 = arith.constant 0 : i32
          %dma_start3A_27 = tpu.memref_slice %arg8[%mul3A_24, %dma_start3A_26] : memref<10000x128xf32, #tpu.memory_space<vmem_shared>> -> memref<80x128xf32, #tpu.memory_space<vmem_shared>>
          tpu.enqueue_dma source(%arg7 : memref<80x128xf32, #tpu.memory_space<vmem>>) target(%dma_start3A_27 : memref<80x128xf32, #tpu.memory_space<vmem_shared>>) target_semaphore(%run_scoped3A : memref<!tpu.dma_semaphore, #tpu.memory_space<semaphore_mem>>)
          %dma_wait3A = arith.constant 0 : i32
          %dma_wait3A_28 = tpu.memref_slice %arg8[%mul3A_24, %dma_wait3A] : memref<10000x128xf32, #tpu.memory_space<vmem_shared>> -> memref<80x128xf32, #tpu.memory_space<vmem_shared>>
          %dma_wait3A_29 = arith.constant 0 : i32
          %dma_wait3A_30 = tpu.memref_slice %arg8[%mul3A_24, %dma_wait3A_29] : memref<10000x128xf32, #tpu.memory_space<vmem_shared>> -> memref<80x128xf32, #tpu.memory_space<vmem_shared>>
          tpu.wait_dma2 semaphore(%run_scoped3A : memref<!tpu.dma_semaphore, #tpu.memory_space<semaphore_mem>>) src(%arg7 : memref<80x128xf32, #tpu.memory_space<vmem>>) dst(%dma_wait3A_30 : memref<80x128xf32, #tpu.memory_space<vmem_shared>>)
          tpu.yield
        }) : () -> ()
      } else {
      }
    }
    %scan3A_5 = arith.constant 8 : i32
    "tpu.region"() ({
      %run_scoped3A = tpu.sem_alloc : memref<!tpu.dma_semaphore, #tpu.memory_space<semaphore_mem>>
      tpu.enqueue_dma source(%arg4 : memref<80x128xf32, #tpu.memory_space<hbm>>) target(%arg7 : memref<80x128xf32, #tpu.memory_space<vmem>>) target_semaphore(%run_scoped3A : memref<!tpu.dma_semaphore, #tpu.memory_space<semaphore_mem>>)
      tpu.wait_dma2 semaphore(%run_scoped3A : memref<!tpu.dma_semaphore, #tpu.memory_space<semaphore_mem>>) src(%arg4 : memref<80x128xf32, #tpu.memory_space<hbm>>) dst(%arg7 : memref<80x128xf32, #tpu.memory_space<vmem>>)
      tpu.yield
    }) : () -> ()
    %barrier3A = arith.constant 0 : index
    tpu.barrier barrier_id(%barrier3A)
    %scan3A_6 = arith.constant 0 : i32
    %scan3A_7 = arith.constant 0 : i32
    %scan3A_8 = arith.constant 125 : i32
    %scan3A_9 = arith.addi %scan3A_7, %scan3A_8 : i32
    %scan3A_10 = arith.constant 1 : i32
    scf.for %scan3A_15 = %scan3A_7 to %scan3A_9 step %scan3A_10  : i32 {
      %mul3A_16 = arith.constant 32 : i32
      %mul3A_17 = arith.muli %scan3A_15, %mul3A_16 : i32
      %add3A_18 = arith.addi %mul3A_17, %add3A : i32
      %mul3A_19 = arith.constant 80 : i32
      %mul3A_20 = arith.muli %add3A_18, %mul3A_19 : i32
      "tpu.region"() ({
        %run_scoped3A = tpu.sem_alloc : memref<!tpu.dma_semaphore, #tpu.memory_space<semaphore_mem>>
        %dma_start3A = tpu.memref_slice %arg2[%mul3A_20] : memref<320000xi32, #tpu.memory_space<hbm>> -> memref<80xi32, #tpu.memory_space<hbm>>
        %dma_start3A_21 = tpu.memref_slice %arg2[%mul3A_20] : memref<320000xi32, #tpu.memory_space<hbm>> -> memref<80xi32, #tpu.memory_space<hbm>>
        tpu.enqueue_dma source(%dma_start3A_21 : memref<80xi32, #tpu.memory_space<hbm>>) target(%arg6 : memref<80xi32, #tpu.memory_space<vmem>>) target_semaphore(%run_scoped3A : memref<!tpu.dma_semaphore, #tpu.memory_space<semaphore_mem>>)
        %dma_wait3A = tpu.memref_slice %arg2[%mul3A_20] : memref<320000xi32, #tpu.memory_space<hbm>> -> memref<80xi32, #tpu.memory_space<hbm>>
        %dma_wait3A_22 = tpu.memref_slice %arg2[%mul3A_20] : memref<320000xi32, #tpu.memory_space<hbm>> -> memref<80xi32, #tpu.memory_space<hbm>>
        tpu.wait_dma2 semaphore(%run_scoped3A : memref<!tpu.dma_semaphore, #tpu.memory_space<semaphore_mem>>) src(%dma_wait3A_22 : memref<80xi32, #tpu.memory_space<hbm>>) dst(%arg6 : memref<80xi32, #tpu.memory_space<vmem>>)
        tpu.yield
      }) : () -> ()
      "tpu.region"() ({
        %run_scoped3A = tpu.sem_alloc : memref<!tpu.dma_semaphore, #tpu.memory_space<semaphore_mem>>
        %dma_start3A = arith.constant 0 : i32
        %dma_start3A_21 = arith.constant 0 : i32
        %dma_start3A_22 = tpu.memref_slice %arg8[%dma_start3A, %dma_start3A_21] : memref<10000x128xf32, #tpu.memory_space<vmem_shared>> -> memref<10000x128xf32, #tpu.memory_space<vmem_shared>>
        tpu.enqueue_indirect_dma source(%arg7 : memref<80x128xf32, #tpu.memory_space<vmem>>) target(%dma_start3A_22 : memref<10000x128xf32, #tpu.memory_space<vmem_shared>>) offsets(%arg6 : memref<80xi32, #tpu.memory_space<vmem>>) semaphore(%run_scoped3A : memref<!tpu.dma_semaphore, #tpu.memory_space<semaphore_mem>>) {add = true}
        %dma_wait3A = arith.constant 0 : i32
        %dma_wait3A_23 = arith.constant 0 : i32
        %dma_wait3A_24 = tpu.memref_slice %arg8[%dma_wait3A, %dma_wait3A_23] : memref<10000x128xf32, #tpu.memory_space<vmem_shared>> -> memref<10000x128xf32, #tpu.memory_space<vmem_shared>>
        tpu.wait_indirect_dma semaphore(%run_scoped3A : memref<!tpu.dma_semaphore, #tpu.memory_space<semaphore_mem>>) src(%arg7 : memref<80x128xf32, #tpu.memory_space<vmem>>) dst(%dma_wait3A_24 : memref<10000x128xf32, #tpu.memory_space<vmem_shared>>)
        tpu.yield
      }) : () -> ()
    }
    %scan3A_11 = arith.constant 125 : i32
    %barrier3A_12 = arith.constant 0 : index
    tpu.barrier barrier_id(%barrier3A_12)
    %eq3A = arith.constant 0 : i32
    %eq3A_13 = arith.cmpi eq, %arg1, %eq3A : i32
    %convert_element_type3A = arith.extui %eq3A_13 : i1 to i32
    %cond3A = arith.constant 0 : i32
    %cond3A_14 = arith.cmpi ne, %convert_element_type3A, %cond3A : i32
    scf.if %cond3A_14 {
      "tpu.region"() ({
        %run_scoped3A = tpu.sem_alloc : memref<!tpu.dma_semaphore, #tpu.memory_space<semaphore_mem>>
        %dma_start3A = arith.constant 0 : i32
        %dma_start3A_15 = arith.constant 0 : i32
        %dma_start3A_16 = tpu.memref_slice %arg5[%arg0, %dma_start3A, %dma_start3A_15] : memref<2x10000x128xf32, #tpu.memory_space<hbm>> -> memref<1x10000x128xf32, #tpu.memory_space<hbm>>
        %dma_start3A_17 = tpu.memref_squeeze %dma_start3A_16 : memref<1x10000x128xf32, #tpu.memory_space<hbm>> -> memref<10000x128xf32, #tpu.memory_space<hbm>>
        tpu.enqueue_dma source(%arg8 : memref<10000x128xf32, #tpu.memory_space<vmem_shared>>) target(%dma_start3A_17 : memref<10000x128xf32, #tpu.memory_space<hbm>>) target_semaphore(%run_scoped3A : memref<!tpu.dma_semaphore, #tpu.memory_space<semaphore_mem>>)
        %dma_wait3A = arith.constant 0 : i32
        %dma_wait3A_18 = arith.constant 0 : i32
        %dma_wait3A_19 = tpu.memref_slice %arg5[%arg0, %dma_wait3A, %dma_wait3A_18] : memref<2x10000x128xf32, #tpu.memory_space<hbm>> -> memref<1x10000x128xf32, #tpu.memory_space<hbm>>
        %dma_wait3A_20 = tpu.memref_squeeze %dma_wait3A_19 : memref<1x10000x128xf32, #tpu.memory_space<hbm>> -> memref<10000x128xf32, #tpu.memory_space<hbm>>
        tpu.wait_dma2 semaphore(%run_scoped3A : memref<!tpu.dma_semaphore, #tpu.memory_space<semaphore_mem>>) src(%arg8 : memref<10000x128xf32, #tpu.memory_space<vmem_shared>>) dst(%dma_wait3A_20 : memref<10000x128xf32, #tpu.memory_space<hbm>>)
        tpu.yield
      }) : () -> ()
    } else {
    }
    return
  }
}

#map = affine_map<(d0, d1) -> (0, 0)>
#map1 = affine_map<(d0, d1) -> (0, 0, 0)>
module attributes {stable_mosaic.version = 14 : i64} {
  func.func @_sc_gather(%arg0: i32, %arg1: i32, %arg2: memref<10000x128xf32, #tpu.memory_space<hbm>>, %arg3: memref<32x125x80xi32, #tpu.memory_space<hbm>>, %arg4: memref<320000x128xf32, #tpu.memory_space<hbm>>, %arg5: memref<125x80xi32, #tpu.memory_space<vmem>>, %arg6: memref<2x80x128xf32, #tpu.memory_space<vmem>>, %arg7: memref<10000x128xf32, #tpu.memory_space<vmem_shared>>, %arg8: memref<!tpu.dma_semaphore, #tpu.memory_space<semaphore_mem>>) attributes {dimension_semantics = [#tpu.dimension_semantics<core_parallel>, #tpu.dimension_semantics<subcore_parallel>], iteration_bounds = array<i64: 2, 16>, scalar_prefetch = 0 : i64, scratch_operands = 4 : i64, tpu.core_type = #tpu.core_type<sc_vector_subcore>, window_params = [{transform_indices = #map}, {transform_indices = #map1}, {transform_indices = #map}]} {
    %mul3A = arith.constant 16 : i32
    %mul3A_0 = arith.muli %arg0, %mul3A : i32
    %add3A = arith.addi %mul3A_0, %arg1 : i32
    "tpu.region"() ({
      %run_scoped3A = tpu.sem_alloc : memref<!tpu.dma_semaphore, #tpu.memory_space<semaphore_mem>>
      %dma_start3A_23 = arith.constant 0 : i32
      %dma_start3A_24 = arith.constant 0 : i32
      %dma_start3A_25 = tpu.memref_slice %arg3[%add3A, %dma_start3A_23, %dma_start3A_24] : memref<32x125x80xi32, #tpu.memory_space<hbm>> -> memref<1x125x80xi32, #tpu.memory_space<hbm>>
      %dma_start3A_26 = tpu.memref_squeeze %dma_start3A_25 : memref<1x125x80xi32, #tpu.memory_space<hbm>> -> memref<125x80xi32, #tpu.memory_space<hbm>>
      %dma_start3A_27 = arith.constant 0 : i32
      %dma_start3A_28 = arith.constant 0 : i32
      %dma_start3A_29 = tpu.memref_slice %arg3[%add3A, %dma_start3A_27, %dma_start3A_28] : memref<32x125x80xi32, #tpu.memory_space<hbm>> -> memref<1x125x80xi32, #tpu.memory_space<hbm>>
      %dma_start3A_30 = tpu.memref_squeeze %dma_start3A_29 : memref<1x125x80xi32, #tpu.memory_space<hbm>> -> memref<125x80xi32, #tpu.memory_space<hbm>>
      tpu.enqueue_dma source(%dma_start3A_30 : memref<125x80xi32, #tpu.memory_space<hbm>>) target(%arg5 : memref<125x80xi32, #tpu.memory_space<vmem>>) target_semaphore(%run_scoped3A : memref<!tpu.dma_semaphore, #tpu.memory_space<semaphore_mem>>)
      %dma_wait3A = arith.constant 0 : i32
      %dma_wait3A_31 = arith.constant 0 : i32
      %dma_wait3A_32 = tpu.memref_slice %arg3[%add3A, %dma_wait3A, %dma_wait3A_31] : memref<32x125x80xi32, #tpu.memory_space<hbm>> -> memref<1x125x80xi32, #tpu.memory_space<hbm>>
      %dma_wait3A_33 = tpu.memref_squeeze %dma_wait3A_32 : memref<1x125x80xi32, #tpu.memory_space<hbm>> -> memref<125x80xi32, #tpu.memory_space<hbm>>
      %dma_wait3A_34 = arith.constant 0 : i32
      %dma_wait3A_35 = arith.constant 0 : i32
      %dma_wait3A_36 = tpu.memref_slice %arg3[%add3A, %dma_wait3A_34, %dma_wait3A_35] : memref<32x125x80xi32, #tpu.memory_space<hbm>> -> memref<1x125x80xi32, #tpu.memory_space<hbm>>
      %dma_wait3A_37 = tpu.memref_squeeze %dma_wait3A_36 : memref<1x125x80xi32, #tpu.memory_space<hbm>> -> memref<125x80xi32, #tpu.memory_space<hbm>>
      tpu.wait_dma2 semaphore(%run_scoped3A : memref<!tpu.dma_semaphore, #tpu.memory_space<semaphore_mem>>) src(%dma_wait3A_37 : memref<125x80xi32, #tpu.memory_space<hbm>>) dst(%arg5 : memref<125x80xi32, #tpu.memory_space<vmem>>)
      tpu.yield
    }) : () -> ()
    %scan3A = arith.constant 0 : i32
    %scan3A_1 = arith.constant 0 : i32
    %scan3A_2 = arith.constant 8 : i32
    %scan3A_3 = arith.addi %scan3A_1, %scan3A_2 : i32
    %scan3A_4 = arith.constant 1 : i32
    scf.for %scan3A_23 = %scan3A_1 to %scan3A_3 step %scan3A_4  : i32 {
      %mul3A_24 = arith.constant 16 : i32
      %mul3A_25 = arith.muli %scan3A_23, %mul3A_24 : i32
      %add3A_26 = arith.addi %mul3A_25, %arg1 : i32
      %lt3A = arith.constant 125 : i32
      %lt3A_27 = arith.cmpi slt, %add3A_26, %lt3A : i32
      %convert_element_type3A = arith.extui %lt3A_27 : i1 to i32
      %cond3A = arith.constant 0 : i32
      %cond3A_28 = arith.cmpi ne, %convert_element_type3A, %cond3A : i32
      scf.if %cond3A_28 {
        %mul3A_29 = arith.constant 80 : i32
        %mul3A_30 = arith.muli %add3A_26, %mul3A_29 : i32
        %mul3A_31 = arith.constant 80 : i32
        %mul3A_32 = arith.muli %add3A_26, %mul3A_31 : i32
        "tpu.region"() ({
          %run_scoped3A = tpu.sem_alloc : memref<!tpu.dma_semaphore, #tpu.memory_space<semaphore_mem>>
          %dma_start3A_33 = arith.constant 0 : i32
          %dma_start3A_34 = tpu.memref_slice %arg7[%mul3A_32, %dma_start3A_33] : memref<10000x128xf32, #tpu.memory_space<vmem_shared>> -> memref<80x128xf32, #tpu.memory_space<vmem_shared>>
          %dma_start3A_35 = arith.constant 0 : i32
          %dma_start3A_36 = tpu.memref_slice %arg2[%mul3A_30, %dma_start3A_35] : memref<10000x128xf32, #tpu.memory_space<hbm>> -> memref<80x128xf32, #tpu.memory_space<hbm>>
          tpu.enqueue_dma source(%dma_start3A_36 : memref<80x128xf32, #tpu.memory_space<hbm>>) target(%dma_start3A_34 : memref<80x128xf32, #tpu.memory_space<vmem_shared>>) target_semaphore(%run_scoped3A : memref<!tpu.dma_semaphore, #tpu.memory_space<semaphore_mem>>)
          %dma_wait3A = arith.constant 0 : i32
          %dma_wait3A_37 = tpu.memref_slice %arg7[%mul3A_32, %dma_wait3A] : memref<10000x128xf32, #tpu.memory_space<vmem_shared>> -> memref<80x128xf32, #tpu.memory_space<vmem_shared>>
          %dma_wait3A_38 = arith.constant 0 : i32
          %dma_wait3A_39 = tpu.memref_slice %arg2[%mul3A_30, %dma_wait3A_38] : memref<10000x128xf32, #tpu.memory_space<hbm>> -> memref<80x128xf32, #tpu.memory_space<hbm>>
          tpu.wait_dma2 semaphore(%run_scoped3A : memref<!tpu.dma_semaphore, #tpu.memory_space<semaphore_mem>>) src(%dma_wait3A_39 : memref<80x128xf32, #tpu.memory_space<hbm>>) dst(%dma_wait3A_37 : memref<80x128xf32, #tpu.memory_space<vmem_shared>>)
          tpu.yield
        }) : () -> ()
      } else {
      }
    }
    %scan3A_5 = arith.constant 8 : i32
    %barrier3A = arith.constant 0 : index
    tpu.barrier barrier_id(%barrier3A)
    %dma_start3A = arith.constant 0 : i32
    %dma_start3A_6 = arith.constant 0 : i32
    %dma_start3A_7 = arith.constant 0 : i32
    %dma_start3A_8 = arith.constant 0 : i32
    %dma_start3A_9 = tpu.memref_slice %arg6[%dma_start3A_6, %dma_start3A_7, %dma_start3A_8] : memref<2x80x128xf32, #tpu.memory_space<vmem>> -> memref<1x80x128xf32, #tpu.memory_space<vmem>>
    %dma_start3A_10 = tpu.memref_squeeze %dma_start3A_9 : memref<1x80x128xf32, #tpu.memory_space<vmem>> -> memref<80x128xf32, #tpu.memory_space<vmem>>
    %dma_start3A_11 = arith.constant 0 : i32
    %dma_start3A_12 = tpu.memref_slice %arg5[%dma_start3A, %dma_start3A_11] : memref<125x80xi32, #tpu.memory_space<vmem>> -> memref<1x80xi32, #tpu.memory_space<vmem>>
    %dma_start3A_13 = tpu.memref_squeeze %dma_start3A_12 : memref<1x80xi32, #tpu.memory_space<vmem>> -> memref<80xi32, #tpu.memory_space<vmem>>
    %dma_start3A_14 = arith.constant 0 : i32
    %dma_start3A_15 = arith.constant 0 : i32
    %dma_start3A_16 = tpu.memref_slice %arg7[%dma_start3A_14, %dma_start3A_15] : memref<10000x128xf32, #tpu.memory_space<vmem_shared>> -> memref<10000x128xf32, #tpu.memory_space<vmem_shared>>
    tpu.enqueue_indirect_dma source(%dma_start3A_16 : memref<10000x128xf32, #tpu.memory_space<vmem_shared>>) target(%dma_start3A_10 : memref<80x128xf32, #tpu.memory_space<vmem>>) offsets(%dma_start3A_13 : memref<80xi32, #tpu.memory_space<vmem>>) semaphore(%arg8 : memref<!tpu.dma_semaphore, #tpu.memory_space<semaphore_mem>>)
    %scan3A_17 = arith.constant 0 : i32
    %scan3A_18 = arith.constant 0 : i32
    %scan3A_19 = arith.constant 125 : i32
    %scan3A_20 = arith.addi %scan3A_18, %scan3A_19 : i32
    %scan3A_21 = arith.constant 1 : i32
    scf.for %scan3A_23 = %scan3A_18 to %scan3A_20 step %scan3A_21  : i32 {
      %jit3A = arith.constant 2 : i32
      %eq3A = arith.constant 0 : i32
      %eq3A_24 = arith.cmpi eq, %jit3A, %eq3A : i32
      %jit3A_25 = arith.constant 1 : i32
      %select_n3A = arith.select %eq3A_24, %jit3A_25, %jit3A : i32
      %rem3A = arith.remsi %scan3A_23, %select_n3A : i32
      %ne3A = arith.constant 0 : i32
      %ne3A_26 = arith.cmpi ne, %rem3A, %ne3A : i32
      %lt3A = arith.constant 0 : i32
      %lt3A_27 = arith.cmpi slt, %rem3A, %lt3A : i32
      %lt3A_28 = arith.constant 0 : i32
      %lt3A_29 = arith.cmpi slt, %select_n3A, %lt3A_28 : i32
      %ne3A_30 = arith.xori %lt3A_27, %lt3A_29 : i1
      %and3A = arith.andi %ne3A_30, %ne3A_26 : i1
      %add3A_31 = arith.addi %rem3A, %select_n3A : i32
      %select_n3A_32 = arith.select %and3A, %add3A_31, %rem3A : i32
      %add3A_33 = arith.constant 1 : i32
      %add3A_34 = arith.addi %scan3A_23, %add3A_33 : i32
      %lt3A_35 = arith.constant 125 : i32
      %lt3A_36 = arith.cmpi slt, %add3A_34, %lt3A_35 : i32
      %convert_element_type3A = arith.extui %lt3A_36 : i1 to i32
      %cond3A = arith.constant 0 : i32
      %cond3A_37 = arith.cmpi ne, %convert_element_type3A, %cond3A : i32
      scf.if %cond3A_37 {
        %add3A_56 = arith.constant 1 : i32
        %add3A_57 = arith.addi %scan3A_23, %add3A_56 : i32
        %sub3A = arith.constant 1 : i32
        %sub3A_58 = arith.subi %sub3A, %select_n3A_32 : i32
        %dma_start3A_59 = arith.constant 0 : i32
        %dma_start3A_60 = arith.constant 0 : i32
        %dma_start3A_61 = tpu.memref_slice %arg6[%sub3A_58, %dma_start3A_59, %dma_start3A_60] : memref<2x80x128xf32, #tpu.memory_space<vmem>> -> memref<1x80x128xf32, #tpu.memory_space<vmem>>
        %dma_start3A_62 = tpu.memref_squeeze %dma_start3A_61 : memref<1x80x128xf32, #tpu.memory_space<vmem>> -> memref<80x128xf32, #tpu.memory_space<vmem>>
        %dma_start3A_63 = arith.constant 0 : i32
        %dma_start3A_64 = tpu.memref_slice %arg5[%add3A_57, %dma_start3A_63] : memref<125x80xi32, #tpu.memory_space<vmem>> -> memref<1x80xi32, #tpu.memory_space<vmem>>
        %dma_start3A_65 = tpu.memref_squeeze %dma_start3A_64 : memref<1x80xi32, #tpu.memory_space<vmem>> -> memref<80xi32, #tpu.memory_space<vmem>>
        %dma_start3A_66 = arith.constant 0 : i32
        %dma_start3A_67 = arith.constant 0 : i32
        %dma_start3A_68 = tpu.memref_slice %arg7[%dma_start3A_66, %dma_start3A_67] : memref<10000x128xf32, #tpu.memory_space<vmem_shared>> -> memref<10000x128xf32, #tpu.memory_space<vmem_shared>>
        tpu.enqueue_indirect_dma source(%dma_start3A_68 : memref<10000x128xf32, #tpu.memory_space<vmem_shared>>) target(%dma_start3A_62 : memref<80x128xf32, #tpu.memory_space<vmem>>) offsets(%dma_start3A_65 : memref<80xi32, #tpu.memory_space<vmem>>) semaphore(%arg8 : memref<!tpu.dma_semaphore, #tpu.memory_space<semaphore_mem>>)
      } else {
      }
      %dma_wait3A = arith.constant 0 : i32
      %dma_wait3A_38 = arith.constant 0 : i32
      %dma_wait3A_39 = tpu.memref_slice %arg6[%select_n3A_32, %dma_wait3A, %dma_wait3A_38] : memref<2x80x128xf32, #tpu.memory_space<vmem>> -> memref<1x80x128xf32, #tpu.memory_space<vmem>>
      %dma_wait3A_40 = tpu.memref_squeeze %dma_wait3A_39 : memref<1x80x128xf32, #tpu.memory_space<vmem>> -> memref<80x128xf32, #tpu.memory_space<vmem>>
      %dma_wait3A_41 = arith.constant 0 : i32
      %dma_wait3A_42 = arith.constant 0 : i32
      %dma_wait3A_43 = tpu.memref_slice %arg2[%dma_wait3A_41, %dma_wait3A_42] : memref<10000x128xf32, #tpu.memory_space<hbm>> -> memref<80x128xf32, #tpu.memory_space<hbm>>
      %dma_wait3A_44 = arith.constant 0 : i32
      %dma_wait3A_45 = arith.constant 0 : i32
      %dma_wait3A_46 = tpu.memref_slice %arg6[%select_n3A_32, %dma_wait3A_44, %dma_wait3A_45] : memref<2x80x128xf32, #tpu.memory_space<vmem>> -> memref<1x80x128xf32, #tpu.memory_space<vmem>>
      %dma_wait3A_47 = tpu.memref_squeeze %dma_wait3A_46 : memref<1x80x128xf32, #tpu.memory_space<vmem>> -> memref<80x128xf32, #tpu.memory_space<vmem>>
      %dma_wait3A_48 = arith.constant 0 : i32
      %dma_wait3A_49 = arith.constant 0 : i32
      %dma_wait3A_50 = tpu.memref_slice %arg2[%dma_wait3A_48, %dma_wait3A_49] : memref<10000x128xf32, #tpu.memory_space<hbm>> -> memref<80x128xf32, #tpu.memory_space<hbm>>
      tpu.wait_dma2 semaphore(%arg8 : memref<!tpu.dma_semaphore, #tpu.memory_space<semaphore_mem>>) src(%dma_wait3A_50 : memref<80x128xf32, #tpu.memory_space<hbm>>) dst(%dma_wait3A_47 : memref<80x128xf32, #tpu.memory_space<vmem>>)
      %mul3A_51 = arith.constant 32 : i32
      %mul3A_52 = arith.muli %scan3A_23, %mul3A_51 : i32
      %add3A_53 = arith.addi %mul3A_52, %add3A : i32
      %mul3A_54 = arith.constant 80 : i32
      %mul3A_55 = arith.muli %add3A_53, %mul3A_54 : i32
      "tpu.region"() ({
        %run_scoped3A = tpu.sem_alloc : memref<!tpu.dma_semaphore, #tpu.memory_space<semaphore_mem>>
        %dma_start3A_56 = arith.constant 0 : i32
        %dma_start3A_57 = arith.constant 0 : i32
        %dma_start3A_58 = tpu.memref_slice %arg6[%select_n3A_32, %dma_start3A_56, %dma_start3A_57] : memref<2x80x128xf32, #tpu.memory_space<vmem>> -> memref<1x80x128xf32, #tpu.memory_space<vmem>>
        %dma_start3A_59 = tpu.memref_squeeze %dma_start3A_58 : memref<1x80x128xf32, #tpu.memory_space<vmem>> -> memref<80x128xf32, #tpu.memory_space<vmem>>
        %dma_start3A_60 = arith.constant 0 : i32
        %dma_start3A_61 = tpu.memref_slice %arg4[%mul3A_55, %dma_start3A_60] : memref<320000x128xf32, #tpu.memory_space<hbm>> -> memref<80x128xf32, #tpu.memory_space<hbm>>
        %dma_start3A_62 = arith.constant 0 : i32
        %dma_start3A_63 = tpu.memref_slice %arg4[%mul3A_55, %dma_start3A_62] : memref<320000x128xf32, #tpu.memory_space<hbm>> -> memref<80x128xf32, #tpu.memory_space<hbm>>
        %dma_start3A_64 = arith.constant 0 : i32
        %dma_start3A_65 = arith.constant 0 : i32
        %dma_start3A_66 = tpu.memref_slice %arg6[%select_n3A_32, %dma_start3A_64, %dma_start3A_65] : memref<2x80x128xf32, #tpu.memory_space<vmem>> -> memref<1x80x128xf32, #tpu.memory_space<vmem>>
        %dma_start3A_67 = tpu.memref_squeeze %dma_start3A_66 : memref<1x80x128xf32, #tpu.memory_space<vmem>> -> memref<80x128xf32, #tpu.memory_space<vmem>>
        tpu.enqueue_dma source(%dma_start3A_67 : memref<80x128xf32, #tpu.memory_space<vmem>>) target(%dma_start3A_63 : memref<80x128xf32, #tpu.memory_space<hbm>>) target_semaphore(%run_scoped3A : memref<!tpu.dma_semaphore, #tpu.memory_space<semaphore_mem>>)
        %dma_wait3A_68 = arith.constant 0 : i32
        %dma_wait3A_69 = arith.constant 0 : i32
        %dma_wait3A_70 = tpu.memref_slice %arg6[%select_n3A_32, %dma_wait3A_68, %dma_wait3A_69] : memref<2x80x128xf32, #tpu.memory_space<vmem>> -> memref<1x80x128xf32, #tpu.memory_space<vmem>>
        %dma_wait3A_71 = tpu.memref_squeeze %dma_wait3A_70 : memref<1x80x128xf32, #tpu.memory_space<vmem>> -> memref<80x128xf32, #tpu.memory_space<vmem>>
        %dma_wait3A_72 = arith.constant 0 : i32
        %dma_wait3A_73 = tpu.memref_slice %arg4[%mul3A_55, %dma_wait3A_72] : memref<320000x128xf32, #tpu.memory_space<hbm>> -> memref<80x128xf32, #tpu.memory_space<hbm>>
        %dma_wait3A_74 = arith.constant 0 : i32
        %dma_wait3A_75 = tpu.memref_slice %arg4[%mul3A_55, %dma_wait3A_74] : memref<320000x128xf32, #tpu.memory_space<hbm>> -> memref<80x128xf32, #tpu.memory_space<hbm>>
        %dma_wait3A_76 = arith.constant 0 : i32
        %dma_wait3A_77 = arith.constant 0 : i32
        %dma_wait3A_78 = tpu.memref_slice %arg6[%select_n3A_32, %dma_wait3A_76, %dma_wait3A_77] : memref<2x80x128xf32, #tpu.memory_space<vmem>> -> memref<1x80x128xf32, #tpu.memory_space<vmem>>
        %dma_wait3A_79 = tpu.memref_squeeze %dma_wait3A_78 : memref<1x80x128xf32, #tpu.memory_space<vmem>> -> memref<80x128xf32, #tpu.memory_space<vmem>>
        tpu.wait_dma2 semaphore(%run_scoped3A : memref<!tpu.dma_semaphore, #tpu.memory_space<semaphore_mem>>) src(%dma_wait3A_79 : memref<80x128xf32, #tpu.memory_space<vmem>>) dst(%dma_wait3A_75 : memref<80x128xf32, #tpu.memory_space<hbm>>)
        tpu.yield
      }) : () -> ()
    }
    %scan3A_22 = arith.constant 125 : i32
    return
  }
}

#map = affine_map<(d0, d1) -> (0, 0)>
#map1 = affine_map<(d0, d1) -> (0, 0, 0)>
module attributes {stable_mosaic.version = 14 : i64} {
  func.func @_sc_scatter(%arg0: i32, %arg1: i32, %arg2: memref<320000x128xf32, #tpu.memory_space<hbm>>, %arg3: memref<32x125x80xi32, #tpu.memory_space<hbm>>, %arg4: memref<80x128xf32, #tpu.memory_space<hbm>>, %arg5: memref<2x10000x128xf32, #tpu.memory_space<hbm>>, %arg6: memref<125x80xi32, #tpu.memory_space<vmem>>, %arg7: memref<2x80x128xf32, #tpu.memory_space<vmem>>, %arg8: memref<10000x128xf32, #tpu.memory_space<vmem_shared>>, %arg9: memref<!tpu.dma_semaphore, #tpu.memory_space<semaphore_mem>>) attributes {dimension_semantics = [#tpu.dimension_semantics<core_parallel>, #tpu.dimension_semantics<subcore_parallel>], iteration_bounds = array<i64: 2, 16>, scalar_prefetch = 0 : i64, scratch_operands = 4 : i64, tpu.core_type = #tpu.core_type<sc_vector_subcore>, window_params = [{transform_indices = #map}, {transform_indices = #map1}, {transform_indices = #map}, {transform_indices = #map1}]} {
    %mul3A = arith.constant 16 : i32
    %mul3A_0 = arith.muli %arg0, %mul3A : i32
    %add3A = arith.addi %mul3A_0, %arg1 : i32
    "tpu.region"() ({
      %run_scoped3A_29 = tpu.sem_alloc : memref<!tpu.dma_semaphore, #tpu.memory_space<semaphore_mem>>
      %dma_start3A_30 = arith.constant 0 : i32
      %dma_start3A_31 = arith.constant 0 : i32
      %dma_start3A_32 = tpu.memref_slice %arg3[%add3A, %dma_start3A_30, %dma_start3A_31] : memref<32x125x80xi32, #tpu.memory_space<hbm>> -> memref<1x125x80xi32, #tpu.memory_space<hbm>>
      %dma_start3A_33 = tpu.memref_squeeze %dma_start3A_32 : memref<1x125x80xi32, #tpu.memory_space<hbm>> -> memref<125x80xi32, #tpu.memory_space<hbm>>
      %dma_start3A_34 = arith.constant 0 : i32
      %dma_start3A_35 = arith.constant 0 : i32
      %dma_start3A_36 = tpu.memref_slice %arg3[%add3A, %dma_start3A_34, %dma_start3A_35] : memref<32x125x80xi32, #tpu.memory_space<hbm>> -> memref<1x125x80xi32, #tpu.memory_space<hbm>>
      %dma_start3A_37 = tpu.memref_squeeze %dma_start3A_36 : memref<1x125x80xi32, #tpu.memory_space<hbm>> -> memref<125x80xi32, #tpu.memory_space<hbm>>
      tpu.enqueue_dma source(%dma_start3A_37 : memref<125x80xi32, #tpu.memory_space<hbm>>) target(%arg6 : memref<125x80xi32, #tpu.memory_space<vmem>>) target_semaphore(%run_scoped3A_29 : memref<!tpu.dma_semaphore, #tpu.memory_space<semaphore_mem>>)
      %dma_wait3A = arith.constant 0 : i32
      %dma_wait3A_38 = arith.constant 0 : i32
      %dma_wait3A_39 = tpu.memref_slice %arg3[%add3A, %dma_wait3A, %dma_wait3A_38] : memref<32x125x80xi32, #tpu.memory_space<hbm>> -> memref<1x125x80xi32, #tpu.memory_space<hbm>>
      %dma_wait3A_40 = tpu.memref_squeeze %dma_wait3A_39 : memref<1x125x80xi32, #tpu.memory_space<hbm>> -> memref<125x80xi32, #tpu.memory_space<hbm>>
      %dma_wait3A_41 = arith.constant 0 : i32
      %dma_wait3A_42 = arith.constant 0 : i32
      %dma_wait3A_43 = tpu.memref_slice %arg3[%add3A, %dma_wait3A_41, %dma_wait3A_42] : memref<32x125x80xi32, #tpu.memory_space<hbm>> -> memref<1x125x80xi32, #tpu.memory_space<hbm>>
      %dma_wait3A_44 = tpu.memref_squeeze %dma_wait3A_43 : memref<1x125x80xi32, #tpu.memory_space<hbm>> -> memref<125x80xi32, #tpu.memory_space<hbm>>
      tpu.wait_dma2 semaphore(%run_scoped3A_29 : memref<!tpu.dma_semaphore, #tpu.memory_space<semaphore_mem>>) src(%dma_wait3A_44 : memref<125x80xi32, #tpu.memory_space<hbm>>) dst(%arg6 : memref<125x80xi32, #tpu.memory_space<vmem>>)
      tpu.yield
    }) : () -> ()
    %run_scoped3A = arith.constant 0 : i32
    "tpu.region"() ({
      %run_scoped3A_29 = tpu.sem_alloc : memref<!tpu.dma_semaphore, #tpu.memory_space<semaphore_mem>>
      %dma_start3A_30 = arith.constant 0 : i32
      %dma_start3A_31 = arith.constant 0 : i32
      %dma_start3A_32 = tpu.memref_slice %arg7[%run_scoped3A, %dma_start3A_30, %dma_start3A_31] : memref<2x80x128xf32, #tpu.memory_space<vmem>> -> memref<1x80x128xf32, #tpu.memory_space<vmem>>
      %dma_start3A_33 = tpu.memref_squeeze %dma_start3A_32 : memref<1x80x128xf32, #tpu.memory_space<vmem>> -> memref<80x128xf32, #tpu.memory_space<vmem>>
      %dma_start3A_34 = arith.constant 0 : i32
      %dma_start3A_35 = arith.constant 0 : i32
      %dma_start3A_36 = tpu.memref_slice %arg7[%run_scoped3A, %dma_start3A_34, %dma_start3A_35] : memref<2x80x128xf32, #tpu.memory_space<vmem>> -> memref<1x80x128xf32, #tpu.memory_space<vmem>>
      %dma_start3A_37 = tpu.memref_squeeze %dma_start3A_36 : memref<1x80x128xf32, #tpu.memory_space<vmem>> -> memref<80x128xf32, #tpu.memory_space<vmem>>
      tpu.enqueue_dma source(%arg4 : memref<80x128xf32, #tpu.memory_space<hbm>>) target(%dma_start3A_37 : memref<80x128xf32, #tpu.memory_space<vmem>>) target_semaphore(%run_scoped3A_29 : memref<!tpu.dma_semaphore, #tpu.memory_space<semaphore_mem>>)
      %dma_wait3A = arith.constant 0 : i32
      %dma_wait3A_38 = arith.constant 0 : i32
      %dma_wait3A_39 = tpu.memref_slice %arg7[%run_scoped3A, %dma_wait3A, %dma_wait3A_38] : memref<2x80x128xf32, #tpu.memory_space<vmem>> -> memref<1x80x128xf32, #tpu.memory_space<vmem>>
      %dma_wait3A_40 = tpu.memref_squeeze %dma_wait3A_39 : memref<1x80x128xf32, #tpu.memory_space<vmem>> -> memref<80x128xf32, #tpu.memory_space<vmem>>
      %dma_wait3A_41 = arith.constant 0 : i32
      %dma_wait3A_42 = arith.constant 0 : i32
      %dma_wait3A_43 = tpu.memref_slice %arg7[%run_scoped3A, %dma_wait3A_41, %dma_wait3A_42] : memref<2x80x128xf32, #tpu.memory_space<vmem>> -> memref<1x80x128xf32, #tpu.memory_space<vmem>>
      %dma_wait3A_44 = tpu.memref_squeeze %dma_wait3A_43 : memref<1x80x128xf32, #tpu.memory_space<vmem>> -> memref<80x128xf32, #tpu.memory_space<vmem>>
      tpu.wait_dma2 semaphore(%run_scoped3A_29 : memref<!tpu.dma_semaphore, #tpu.memory_space<semaphore_mem>>) src(%arg4 : memref<80x128xf32, #tpu.memory_space<hbm>>) dst(%dma_wait3A_44 : memref<80x128xf32, #tpu.memory_space<vmem>>)
      tpu.yield
    }) : () -> ()
    %scan3A = arith.constant 0 : i32
    %scan3A_1 = arith.constant 0 : i32
    %scan3A_2 = arith.constant 8 : i32
    %scan3A_3 = arith.addi %scan3A_1, %scan3A_2 : i32
    %scan3A_4 = arith.constant 1 : i32
    scf.for %scan3A_29 = %scan3A_1 to %scan3A_3 step %scan3A_4  : i32 {
      %mul3A_30 = arith.constant 16 : i32
      %mul3A_31 = arith.muli %scan3A_29, %mul3A_30 : i32
      %add3A_32 = arith.addi %mul3A_31, %arg1 : i32
      %lt3A = arith.constant 125 : i32
      %lt3A_33 = arith.cmpi slt, %add3A_32, %lt3A : i32
      %convert_element_type3A_34 = arith.extui %lt3A_33 : i1 to i32
      %cond3A_35 = arith.constant 0 : i32
      %cond3A_36 = arith.cmpi ne, %convert_element_type3A_34, %cond3A_35 : i32
      scf.if %cond3A_36 {
        %mul3A_37 = arith.constant 80 : i32
        %mul3A_38 = arith.muli %add3A_32, %mul3A_37 : i32
        %run_scoped3A_39 = arith.constant 0 : i32
        "tpu.region"() ({
          %run_scoped3A_40 = tpu.sem_alloc : memref<!tpu.dma_semaphore, #tpu.memory_space<semaphore_mem>>
          %dma_start3A_41 = arith.constant 0 : i32
          %dma_start3A_42 = arith.constant 0 : i32
          %dma_start3A_43 = tpu.memref_slice %arg7[%run_scoped3A_39, %dma_start3A_41, %dma_start3A_42] : memref<2x80x128xf32, #tpu.memory_space<vmem>> -> memref<1x80x128xf32, #tpu.memory_space<vmem>>
          %dma_start3A_44 = tpu.memref_squeeze %dma_start3A_43 : memref<1x80x128xf32, #tpu.memory_space<vmem>> -> memref<80x128xf32, #tpu.memory_space<vmem>>
          %dma_start3A_45 = arith.constant 0 : i32
          %dma_start3A_46 = tpu.memref_slice %arg8[%mul3A_38, %dma_start3A_45] : memref<10000x128xf32, #tpu.memory_space<vmem_shared>> -> memref<80x128xf32, #tpu.memory_space<vmem_shared>>
          %dma_start3A_47 = arith.constant 0 : i32
          %dma_start3A_48 = tpu.memref_slice %arg8[%mul3A_38, %dma_start3A_47] : memref<10000x128xf32, #tpu.memory_space<vmem_shared>> -> memref<80x128xf32, #tpu.memory_space<vmem_shared>>
          %dma_start3A_49 = arith.constant 0 : i32
          %dma_start3A_50 = arith.constant 0 : i32
          %dma_start3A_51 = tpu.memref_slice %arg7[%run_scoped3A_39, %dma_start3A_49, %dma_start3A_50] : memref<2x80x128xf32, #tpu.memory_space<vmem>> -> memref<1x80x128xf32, #tpu.memory_space<vmem>>
          %dma_start3A_52 = tpu.memref_squeeze %dma_start3A_51 : memref<1x80x128xf32, #tpu.memory_space<vmem>> -> memref<80x128xf32, #tpu.memory_space<vmem>>
          tpu.enqueue_dma source(%dma_start3A_52 : memref<80x128xf32, #tpu.memory_space<vmem>>) target(%dma_start3A_48 : memref<80x128xf32, #tpu.memory_space<vmem_shared>>) target_semaphore(%run_scoped3A_40 : memref<!tpu.dma_semaphore, #tpu.memory_space<semaphore_mem>>)
          %dma_wait3A = arith.constant 0 : i32
          %dma_wait3A_53 = arith.constant 0 : i32
          %dma_wait3A_54 = tpu.memref_slice %arg7[%run_scoped3A_39, %dma_wait3A, %dma_wait3A_53] : memref<2x80x128xf32, #tpu.memory_space<vmem>> -> memref<1x80x128xf32, #tpu.memory_space<vmem>>
          %dma_wait3A_55 = tpu.memref_squeeze %dma_wait3A_54 : memref<1x80x128xf32, #tpu.memory_space<vmem>> -> memref<80x128xf32, #tpu.memory_space<vmem>>
          %dma_wait3A_56 = arith.constant 0 : i32
          %dma_wait3A_57 = tpu.memref_slice %arg8[%mul3A_38, %dma_wait3A_56] : memref<10000x128xf32, #tpu.memory_space<vmem_shared>> -> memref<80x128xf32, #tpu.memory_space<vmem_shared>>
          %dma_wait3A_58 = arith.constant 0 : i32
          %dma_wait3A_59 = tpu.memref_slice %arg8[%mul3A_38, %dma_wait3A_58] : memref<10000x128xf32, #tpu.memory_space<vmem_shared>> -> memref<80x128xf32, #tpu.memory_space<vmem_shared>>
          %dma_wait3A_60 = arith.constant 0 : i32
          %dma_wait3A_61 = arith.constant 0 : i32
          %dma_wait3A_62 = tpu.memref_slice %arg7[%run_scoped3A_39, %dma_wait3A_60, %dma_wait3A_61] : memref<2x80x128xf32, #tpu.memory_space<vmem>> -> memref<1x80x128xf32, #tpu.memory_space<vmem>>
          %dma_wait3A_63 = tpu.memref_squeeze %dma_wait3A_62 : memref<1x80x128xf32, #tpu.memory_space<vmem>> -> memref<80x128xf32, #tpu.memory_space<vmem>>
          tpu.wait_dma2 semaphore(%run_scoped3A_40 : memref<!tpu.dma_semaphore, #tpu.memory_space<semaphore_mem>>) src(%dma_wait3A_63 : memref<80x128xf32, #tpu.memory_space<vmem>>) dst(%dma_wait3A_59 : memref<80x128xf32, #tpu.memory_space<vmem_shared>>)
          tpu.yield
        }) : () -> ()
      } else {
      }
    }
    %scan3A_5 = arith.constant 8 : i32
    %barrier3A = arith.constant 0 : index
    tpu.barrier barrier_id(%barrier3A)
    %mul3A_6 = arith.constant 80 : i32
    %mul3A_7 = arith.muli %add3A, %mul3A_6 : i32
    %dma_start3A = arith.constant 0 : i32
    %dma_start3A_8 = arith.constant 0 : i32
    %dma_start3A_9 = arith.constant 0 : i32
    %dma_start3A_10 = tpu.memref_slice %arg7[%dma_start3A, %dma_start3A_8, %dma_start3A_9] : memref<2x80x128xf32, #tpu.memory_space<vmem>> -> memref<1x80x128xf32, #tpu.memory_space<vmem>>
    %dma_start3A_11 = tpu.memref_squeeze %dma_start3A_10 : memref<1x80x128xf32, #tpu.memory_space<vmem>> -> memref<80x128xf32, #tpu.memory_space<vmem>>
    %dma_start3A_12 = arith.constant 0 : i32
    %dma_start3A_13 = tpu.memref_slice %arg2[%mul3A_7, %dma_start3A_12] : memref<320000x128xf32, #tpu.memory_space<hbm>> -> memref<80x128xf32, #tpu.memory_space<hbm>>
    %dma_start3A_14 = arith.constant 0 : i32
    %dma_start3A_15 = arith.constant 0 : i32
    %dma_start3A_16 = tpu.memref_slice %arg7[%dma_start3A, %dma_start3A_14, %dma_start3A_15] : memref<2x80x128xf32, #tpu.memory_space<vmem>> -> memref<1x80x128xf32, #tpu.memory_space<vmem>>
    %dma_start3A_17 = tpu.memref_squeeze %dma_start3A_16 : memref<1x80x128xf32, #tpu.memory_space<vmem>> -> memref<80x128xf32, #tpu.memory_space<vmem>>
    %dma_start3A_18 = arith.constant 0 : i32
    %dma_start3A_19 = tpu.memref_slice %arg2[%mul3A_7, %dma_start3A_18] : memref<320000x128xf32, #tpu.memory_space<hbm>> -> memref<80x128xf32, #tpu.memory_space<hbm>>
    tpu.enqueue_dma source(%dma_start3A_19 : memref<80x128xf32, #tpu.memory_space<hbm>>) target(%dma_start3A_17 : memref<80x128xf32, #tpu.memory_space<vmem>>) target_semaphore(%arg9 : memref<!tpu.dma_semaphore, #tpu.memory_space<semaphore_mem>>)
    %scan3A_20 = arith.constant 0 : i32
    %scan3A_21 = arith.constant 0 : i32
    %scan3A_22 = arith.constant 125 : i32
    %scan3A_23 = arith.addi %scan3A_21, %scan3A_22 : i32
    %scan3A_24 = arith.constant 1 : i32
    scf.for %scan3A_29 = %scan3A_21 to %scan3A_23 step %scan3A_24  : i32 {
      %jit3A = arith.constant 2 : i32
      %eq3A_30 = arith.constant 0 : i32
      %eq3A_31 = arith.cmpi eq, %jit3A, %eq3A_30 : i32
      %jit3A_32 = arith.constant 1 : i32
      %select_n3A = arith.select %eq3A_31, %jit3A_32, %jit3A : i32
      %rem3A = arith.remsi %scan3A_29, %select_n3A : i32
      %ne3A = arith.constant 0 : i32
      %ne3A_33 = arith.cmpi ne, %rem3A, %ne3A : i32
      %lt3A = arith.constant 0 : i32
      %lt3A_34 = arith.cmpi slt, %rem3A, %lt3A : i32
      %lt3A_35 = arith.constant 0 : i32
      %lt3A_36 = arith.cmpi slt, %select_n3A, %lt3A_35 : i32
      %ne3A_37 = arith.xori %lt3A_34, %lt3A_36 : i1
      %and3A = arith.andi %ne3A_37, %ne3A_33 : i1
      %add3A_38 = arith.addi %rem3A, %select_n3A : i32
      %select_n3A_39 = arith.select %and3A, %add3A_38, %rem3A : i32
      %add3A_40 = arith.constant 1 : i32
      %add3A_41 = arith.addi %scan3A_29, %add3A_40 : i32
      %lt3A_42 = arith.constant 125 : i32
      %lt3A_43 = arith.cmpi slt, %add3A_41, %lt3A_42 : i32
      %convert_element_type3A_44 = arith.extui %lt3A_43 : i1 to i32
      %cond3A_45 = arith.constant 0 : i32
      %cond3A_46 = arith.cmpi ne, %convert_element_type3A_44, %cond3A_45 : i32
      scf.if %cond3A_46 {
        %add3A_60 = arith.constant 1 : i32
        %add3A_61 = arith.addi %scan3A_29, %add3A_60 : i32
        %mul3A_62 = arith.constant 32 : i32
        %mul3A_63 = arith.muli %add3A_61, %mul3A_62 : i32
        %add3A_64 = arith.addi %mul3A_63, %add3A : i32
        %mul3A_65 = arith.constant 80 : i32
        %mul3A_66 = arith.muli %add3A_64, %mul3A_65 : i32
        %sub3A = arith.constant 1 : i32
        %sub3A_67 = arith.subi %sub3A, %select_n3A_39 : i32
        %dma_start3A_68 = arith.constant 0 : i32
        %dma_start3A_69 = arith.constant 0 : i32
        %dma_start3A_70 = tpu.memref_slice %arg7[%sub3A_67, %dma_start3A_68, %dma_start3A_69] : memref<2x80x128xf32, #tpu.memory_space<vmem>> -> memref<1x80x128xf32, #tpu.memory_space<vmem>>
        %dma_start3A_71 = tpu.memref_squeeze %dma_start3A_70 : memref<1x80x128xf32, #tpu.memory_space<vmem>> -> memref<80x128xf32, #tpu.memory_space<vmem>>
        %dma_start3A_72 = arith.constant 0 : i32
        %dma_start3A_73 = tpu.memref_slice %arg2[%mul3A_66, %dma_start3A_72] : memref<320000x128xf32, #tpu.memory_space<hbm>> -> memref<80x128xf32, #tpu.memory_space<hbm>>
        %dma_start3A_74 = arith.constant 0 : i32
        %dma_start3A_75 = arith.constant 0 : i32
        %dma_start3A_76 = tpu.memref_slice %arg7[%sub3A_67, %dma_start3A_74, %dma_start3A_75] : memref<2x80x128xf32, #tpu.memory_space<vmem>> -> memref<1x80x128xf32, #tpu.memory_space<vmem>>
        %dma_start3A_77 = tpu.memref_squeeze %dma_start3A_76 : memref<1x80x128xf32, #tpu.memory_space<vmem>> -> memref<80x128xf32, #tpu.memory_space<vmem>>
        %dma_start3A_78 = arith.constant 0 : i32
        %dma_start3A_79 = tpu.memref_slice %arg2[%mul3A_66, %dma_start3A_78] : memref<320000x128xf32, #tpu.memory_space<hbm>> -> memref<80x128xf32, #tpu.memory_space<hbm>>
        tpu.enqueue_dma source(%dma_start3A_79 : memref<80x128xf32, #tpu.memory_space<hbm>>) target(%dma_start3A_77 : memref<80x128xf32, #tpu.memory_space<vmem>>) target_semaphore(%arg9 : memref<!tpu.dma_semaphore, #tpu.memory_space<semaphore_mem>>)
      } else {
      }
      %dma_wait3A = arith.constant 0 : i32
      %dma_wait3A_47 = arith.constant 0 : i32
      %dma_wait3A_48 = tpu.memref_slice %arg7[%select_n3A_39, %dma_wait3A, %dma_wait3A_47] : memref<2x80x128xf32, #tpu.memory_space<vmem>> -> memref<1x80x128xf32, #tpu.memory_space<vmem>>
      %dma_wait3A_49 = tpu.memref_squeeze %dma_wait3A_48 : memref<1x80x128xf32, #tpu.memory_space<vmem>> -> memref<80x128xf32, #tpu.memory_space<vmem>>
      %dma_wait3A_50 = arith.constant 0 : i32
      %dma_wait3A_51 = arith.constant 0 : i32
      %dma_wait3A_52 = tpu.memref_slice %arg2[%dma_wait3A_50, %dma_wait3A_51] : memref<320000x128xf32, #tpu.memory_space<hbm>> -> memref<80x128xf32, #tpu.memory_space<hbm>>
      %dma_wait3A_53 = arith.constant 0 : i32
      %dma_wait3A_54 = arith.constant 0 : i32
      %dma_wait3A_55 = tpu.memref_slice %arg7[%select_n3A_39, %dma_wait3A_53, %dma_wait3A_54] : memref<2x80x128xf32, #tpu.memory_space<vmem>> -> memref<1x80x128xf32, #tpu.memory_space<vmem>>
      %dma_wait3A_56 = tpu.memref_squeeze %dma_wait3A_55 : memref<1x80x128xf32, #tpu.memory_space<vmem>> -> memref<80x128xf32, #tpu.memory_space<vmem>>
      %dma_wait3A_57 = arith.constant 0 : i32
      %dma_wait3A_58 = arith.constant 0 : i32
      %dma_wait3A_59 = tpu.memref_slice %arg2[%dma_wait3A_57, %dma_wait3A_58] : memref<320000x128xf32, #tpu.memory_space<hbm>> -> memref<80x128xf32, #tpu.memory_space<hbm>>
      tpu.wait_dma2 semaphore(%arg9 : memref<!tpu.dma_semaphore, #tpu.memory_space<semaphore_mem>>) src(%dma_wait3A_59 : memref<80x128xf32, #tpu.memory_space<hbm>>) dst(%dma_wait3A_56 : memref<80x128xf32, #tpu.memory_space<vmem>>)
      "tpu.region"() ({
        %run_scoped3A_60 = tpu.sem_alloc : memref<!tpu.dma_semaphore, #tpu.memory_space<semaphore_mem>>
        %dma_start3A_61 = arith.constant 0 : i32
        %dma_start3A_62 = arith.constant 0 : i32
        %dma_start3A_63 = tpu.memref_slice %arg7[%select_n3A_39, %dma_start3A_61, %dma_start3A_62] : memref<2x80x128xf32, #tpu.memory_space<vmem>> -> memref<1x80x128xf32, #tpu.memory_space<vmem>>
        %dma_start3A_64 = tpu.memref_squeeze %dma_start3A_63 : memref<1x80x128xf32, #tpu.memory_space<vmem>> -> memref<80x128xf32, #tpu.memory_space<vmem>>
        %dma_start3A_65 = arith.constant 0 : i32
        %dma_start3A_66 = tpu.memref_slice %arg6[%scan3A_29, %dma_start3A_65] : memref<125x80xi32, #tpu.memory_space<vmem>> -> memref<1x80xi32, #tpu.memory_space<vmem>>
        %dma_start3A_67 = tpu.memref_squeeze %dma_start3A_66 : memref<1x80xi32, #tpu.memory_space<vmem>> -> memref<80xi32, #tpu.memory_space<vmem>>
        %dma_start3A_68 = arith.constant 0 : i32
        %dma_start3A_69 = arith.constant 0 : i32
        %dma_start3A_70 = tpu.memref_slice %arg8[%dma_start3A_68, %dma_start3A_69] : memref<10000x128xf32, #tpu.memory_space<vmem_shared>> -> memref<10000x128xf32, #tpu.memory_space<vmem_shared>>
        tpu.enqueue_indirect_dma source(%dma_start3A_64 : memref<80x128xf32, #tpu.memory_space<vmem>>) target(%dma_start3A_70 : memref<10000x128xf32, #tpu.memory_space<vmem_shared>>) offsets(%dma_start3A_67 : memref<80xi32, #tpu.memory_space<vmem>>) semaphore(%run_scoped3A_60 : memref<!tpu.dma_semaphore, #tpu.memory_space<semaphore_mem>>) {add = true}
        %dma_wait3A_71 = arith.constant 0 : i32
        %dma_wait3A_72 = arith.constant 0 : i32
        %dma_wait3A_73 = tpu.memref_slice %arg7[%select_n3A_39, %dma_wait3A_71, %dma_wait3A_72] : memref<2x80x128xf32, #tpu.memory_space<vmem>> -> memref<1x80x128xf32, #tpu.memory_space<vmem>>
        %dma_wait3A_74 = tpu.memref_squeeze %dma_wait3A_73 : memref<1x80x128xf32, #tpu.memory_space<vmem>> -> memref<80x128xf32, #tpu.memory_space<vmem>>
        %dma_wait3A_75 = arith.constant 0 : i32
        %dma_wait3A_76 = tpu.memref_slice %arg6[%scan3A_29, %dma_wait3A_75] : memref<125x80xi32, #tpu.memory_space<vmem>> -> memref<1x80xi32, #tpu.memory_space<vmem>>
        %dma_wait3A_77 = tpu.memref_squeeze %dma_wait3A_76 : memref<1x80xi32, #tpu.memory_space<vmem>> -> memref<80xi32, #tpu.memory_space<vmem>>
        %dma_wait3A_78 = arith.constant 0 : i32
        %dma_wait3A_79 = arith.constant 0 : i32
        %dma_wait3A_80 = tpu.memref_slice %arg8[%dma_wait3A_78, %dma_wait3A_79] : memref<10000x128xf32, #tpu.memory_space<vmem_shared>> -> memref<10000x128xf32, #tpu.memory_space<vmem_shared>>
        tpu.wait_indirect_dma semaphore(%run_scoped3A_60 : memref<!tpu.dma_semaphore, #tpu.memory_space<semaphore_mem>>) src(%dma_wait3A_74 : memref<80x128xf32, #tpu.memory_space<vmem>>) dst(%dma_wait3A_80 : memref<10000x128xf32, #tpu.memory_space<vmem_shared>>)
        tpu.yield
      }) : () -> ()
    }
    %scan3A_25 = arith.constant 125 : i32
    %barrier3A_26 = arith.constant 0 : index
    tpu.barrier barrier_id(%barrier3A_26)
    %eq3A = arith.constant 0 : i32
    %eq3A_27 = arith.cmpi eq, %arg1, %eq3A : i32
    %convert_element_type3A = arith.extui %eq3A_27 : i1 to i32
    %cond3A = arith.constant 0 : i32
    %cond3A_28 = arith.cmpi ne, %convert_element_type3A, %cond3A : i32
    scf.if %cond3A_28 {
      "tpu.region"() ({
        %run_scoped3A_29 = tpu.sem_alloc : memref<!tpu.dma_semaphore, #tpu.memory_space<semaphore_mem>>
        %dma_start3A_30 = arith.constant 0 : i32
        %dma_start3A_31 = arith.constant 0 : i32
        %dma_start3A_32 = tpu.memref_slice %arg5[%arg0, %dma_start3A_30, %dma_start3A_31] : memref<2x10000x128xf32, #tpu.memory_space<hbm>> -> memref<1x10000x128xf32, #tpu.memory_space<hbm>>
        %dma_start3A_33 = tpu.memref_squeeze %dma_start3A_32 : memref<1x10000x128xf32, #tpu.memory_space<hbm>> -> memref<10000x128xf32, #tpu.memory_space<hbm>>
        tpu.enqueue_dma source(%arg8 : memref<10000x128xf32, #tpu.memory_space<vmem_shared>>) target(%dma_start3A_33 : memref<10000x128xf32, #tpu.memory_space<hbm>>) target_semaphore(%run_scoped3A_29 : memref<!tpu.dma_semaphore, #tpu.memory_space<semaphore_mem>>)
        %dma_wait3A = arith.constant 0 : i32
        %dma_wait3A_34 = arith.constant 0 : i32
        %dma_wait3A_35 = tpu.memref_slice %arg5[%arg0, %dma_wait3A, %dma_wait3A_34] : memref<2x10000x128xf32, #tpu.memory_space<hbm>> -> memref<1x10000x128xf32, #tpu.memory_space<hbm>>
        %dma_wait3A_36 = tpu.memref_squeeze %dma_wait3A_35 : memref<1x10000x128xf32, #tpu.memory_space<hbm>> -> memref<10000x128xf32, #tpu.memory_space<hbm>>
        tpu.wait_dma2 semaphore(%run_scoped3A_29 : memref<!tpu.dma_semaphore, #tpu.memory_space<semaphore_mem>>) src(%arg8 : memref<10000x128xf32, #tpu.memory_space<vmem_shared>>) dst(%dma_wait3A_36 : memref<10000x128xf32, #tpu.memory_space<hbm>>)
        tpu.yield
      }) : () -> ()
    } else {
    }
    return
  }
}

module attributes {stable_mosaic.version = 14 : i64} {
  func.func @_node_embed_body(%arg0: i32, %arg1: memref<2000x128xf32, #tpu.memory_space<vmem>>, %arg2: memref<1x128xf32, #tpu.memory_space<vmem>>, %arg3: memref<1x128xf32, #tpu.memory_space<vmem>>, %arg4: memref<1x128xf32, #tpu.memory_space<vmem>>, %arg5: memref<1x128xf32, #tpu.memory_space<vmem>>, %arg6: memref<128x128xf32, #tpu.memory_space<vmem>>, %arg7: memref<1x128xf32, #tpu.memory_space<vmem>>, %arg8: memref<1x128xf32, #tpu.memory_space<vmem>>, %arg9: memref<1x128xf32, #tpu.memory_space<vmem>>, %arg10: memref<1x128xf32, #tpu.memory_space<vmem>>, %arg11: memref<1x128xf32, #tpu.memory_space<vmem>>, %arg12: memref<128x128xf32, #tpu.memory_space<vmem>>, %arg13: memref<1x128xf32, #tpu.memory_space<vmem>>, %arg14: memref<2000x128xf32, #tpu.memory_space<vmem>>) attributes {dimension_semantics = [#tpu.dimension_semantics<arbitrary>], iteration_bounds = array<i64: 5>, scalar_prefetch = 0 : i64, scratch_operands = 0 : i64, tpu.core_type = #tpu.core_type<tc>, window_params = [{transform_indices = @transform_0, window_bounds = array<i64: 2000, 128>}, {pipeline_mode = #tpu.pipeline_mode<synchronous>, transform_indices = @transform_1, window_bounds = array<i64: 1, 128>}, {pipeline_mode = #tpu.pipeline_mode<synchronous>, transform_indices = @transform_2, window_bounds = array<i64: 1, 128>}, {pipeline_mode = #tpu.pipeline_mode<synchronous>, transform_indices = @transform_3, window_bounds = array<i64: 1, 128>}, {pipeline_mode = #tpu.pipeline_mode<synchronous>, transform_indices = @transform_4, window_bounds = array<i64: 1, 128>}, {pipeline_mode = #tpu.pipeline_mode<synchronous>, transform_indices = @transform_5, window_bounds = array<i64: 128, 128>}, {pipeline_mode = #tpu.pipeline_mode<synchronous>, transform_indices = @transform_6, window_bounds = array<i64: 1, 128>}, {pipeline_mode = #tpu.pipeline_mode<synchronous>, transform_indices = @transform_7, window_bounds = array<i64: 1, 128>}, {pipeline_mode = #tpu.pipeline_mode<synchronous>, transform_indices = @transform_8, window_bounds = array<i64: 1, 128>}, {pipeline_mode = #tpu.pipeline_mode<synchronous>, transform_indices = @transform_9, window_bounds = array<i64: 1, 128>}, {pipeline_mode = #tpu.pipeline_mode<synchronous>, transform_indices = @transform_10, window_bounds = array<i64: 1, 128>}, {pipeline_mode = #tpu.pipeline_mode<synchronous>, transform_indices = @transform_11, window_bounds = array<i64: 128, 128>}, {pipeline_mode = #tpu.pipeline_mode<synchronous>, transform_indices = @transform_12, window_bounds = array<i64: 1, 128>}, {transform_indices = @transform_13, window_bounds = array<i64: 2000, 128>}]} {
    %get3A = arith.constant 0 : index
    %get3A_0 = arith.constant 0 : index
    %get3A_1 = vector.load %arg1[%get3A, %get3A_0] : memref<2000x128xf32, #tpu.memory_space<vmem>>, vector<2000x128xf32>
    %get3A_2 = arith.constant 0 : index
    %get3A_3 = arith.constant 0 : index
    %get3A_4 = vector.load %arg2[%get3A_2, %get3A_3] : memref<1x128xf32, #tpu.memory_space<vmem>>, vector<1x128xf32>
    %get3A_5 = arith.constant 0 : index
    %get3A_6 = arith.constant 0 : index
    %get3A_7 = vector.load %arg3[%get3A_5, %get3A_6] : memref<1x128xf32, #tpu.memory_space<vmem>>, vector<1x128xf32>
    %get3A_8 = arith.constant 0 : index
    %get3A_9 = arith.constant 0 : index
    %get3A_10 = vector.load %arg4[%get3A_8, %get3A_9] : memref<1x128xf32, #tpu.memory_space<vmem>>, vector<1x128xf32>
    %get3A_11 = arith.constant 0 : index
    %get3A_12 = arith.constant 0 : index
    %get3A_13 = vector.load %arg5[%get3A_11, %get3A_12] : memref<1x128xf32, #tpu.memory_space<vmem>>, vector<1x128xf32>
    %sub3A = vector.broadcast %get3A_10 : vector<1x128xf32> to vector<2000x128xf32>
    %sub3A_14 = arith.subf %get3A_1, %sub3A : vector<2000x128xf32>
    %add3A = arith.constant 1.000000e-03 : f32
    %add3A_15 = vector.broadcast %add3A : f32 to vector<1x128xf32>
    %add3A_16 = arith.addf %get3A_13, %add3A_15 : vector<1x128xf32>
    %rsqrt3A = math.rsqrt %add3A_16 : vector<1x128xf32>
    %mul3A = arith.mulf %get3A_4, %rsqrt3A : vector<1x128xf32>
    %mul3A_17 = vector.broadcast %mul3A : vector<1x128xf32> to vector<2000x128xf32>
    %mul3A_18 = arith.mulf %sub3A_14, %mul3A_17 : vector<2000x128xf32>
    %add3A_19 = vector.broadcast %get3A_7 : vector<1x128xf32> to vector<2000x128xf32>
    %add3A_20 = arith.addf %mul3A_18, %add3A_19 : vector<2000x128xf32>
    %get3A_21 = arith.constant 0 : index
    %get3A_22 = arith.constant 0 : index
    %get3A_23 = vector.load %arg6[%get3A_21, %get3A_22] : memref<128x128xf32, #tpu.memory_space<vmem>>, vector<128x128xf32>
    %dot_general3A = arith.constant dense<0.000000e+00> : vector<2000x128xf32>
    %dot_general3A_24 = tpu.matmul %add3A_20, %get3A_23, %dot_general3A {dimension_numbers = #tpu.dot_dimension_numbers<[1], [0], [0], [1], [0, 0, 1, 1], [], []>, transpose_lhs_hint = false} : vector<2000x128xf32>, vector<128x128xf32>, vector<2000x128xf32> -> vector<2000x128xf32>
    %get3A_25 = arith.constant 0 : index
    %get3A_26 = arith.constant 0 : index
    %get3A_27 = vector.load %arg7[%get3A_25, %get3A_26] : memref<1x128xf32, #tpu.memory_space<vmem>>, vector<1x128xf32>
    %add3A_28 = vector.broadcast %get3A_27 : vector<1x128xf32> to vector<2000x128xf32>
    %add3A_29 = arith.addf %dot_general3A_24, %add3A_28 : vector<2000x128xf32>
    %mul3A_30 = arith.constant 5.000000e-01 : f32
    %mul3A_31 = vector.broadcast %mul3A_30 : f32 to vector<2000x128xf32>
    %mul3A_32 = arith.mulf %mul3A_31, %add3A_29 : vector<2000x128xf32>
    %mul3A_33 = arith.constant 0.707106769 : f32
    %mul3A_34 = vector.broadcast %mul3A_33 : f32 to vector<2000x128xf32>
    %mul3A_35 = arith.mulf %add3A_29, %mul3A_34 : vector<2000x128xf32>
    %erf3A = math.erf %mul3A_35 : vector<2000x128xf32>
    %add3A_36 = arith.constant 1.000000e+00 : f32
    %add3A_37 = vector.broadcast %add3A_36 : f32 to vector<2000x128xf32>
    %add3A_38 = arith.addf %add3A_37, %erf3A : vector<2000x128xf32>
    %mul3A_39 = arith.mulf %mul3A_32, %add3A_38 : vector<2000x128xf32>
    %get3A_40 = arith.constant 0 : index
    %get3A_41 = arith.constant 0 : index
    %get3A_42 = vector.load %arg8[%get3A_40, %get3A_41] : memref<1x128xf32, #tpu.memory_space<vmem>>, vector<1x128xf32>
    %get3A_43 = arith.constant 0 : index
    %get3A_44 = arith.constant 0 : index
    %get3A_45 = vector.load %arg9[%get3A_43, %get3A_44] : memref<1x128xf32, #tpu.memory_space<vmem>>, vector<1x128xf32>
    %get3A_46 = arith.constant 0 : index
    %get3A_47 = arith.constant 0 : index
    %get3A_48 = vector.load %arg10[%get3A_46, %get3A_47] : memref<1x128xf32, #tpu.memory_space<vmem>>, vector<1x128xf32>
    %get3A_49 = arith.constant 0 : index
    %get3A_50 = arith.constant 0 : index
    %get3A_51 = vector.load %arg11[%get3A_49, %get3A_50] : memref<1x128xf32, #tpu.memory_space<vmem>>, vector<1x128xf32>
    %sub3A_52 = vector.broadcast %get3A_48 : vector<1x128xf32> to vector<2000x128xf32>
    %sub3A_53 = arith.subf %mul3A_39, %sub3A_52 : vector<2000x128xf32>
    %add3A_54 = arith.constant 1.000000e-03 : f32
    %add3A_55 = vector.broadcast %add3A_54 : f32 to vector<1x128xf32>
    %add3A_56 = arith.addf %get3A_51, %add3A_55 : vector<1x128xf32>
    %rsqrt3A_57 = math.rsqrt %add3A_56 : vector<1x128xf32>
    %mul3A_58 = arith.mulf %get3A_42, %rsqrt3A_57 : vector<1x128xf32>
    %mul3A_59 = vector.broadcast %mul3A_58 : vector<1x128xf32> to vector<2000x128xf32>
    %mul3A_60 = arith.mulf %sub3A_53, %mul3A_59 : vector<2000x128xf32>
    %add3A_61 = vector.broadcast %get3A_45 : vector<1x128xf32> to vector<2000x128xf32>
    %add3A_62 = arith.addf %mul3A_60, %add3A_61 : vector<2000x128xf32>
    %get3A_63 = arith.constant 0 : index
    %get3A_64 = arith.constant 0 : index
    %get3A_65 = vector.load %arg12[%get3A_63, %get3A_64] : memref<128x128xf32, #tpu.memory_space<vmem>>, vector<128x128xf32>
    %dot_general3A_66 = arith.constant dense<0.000000e+00> : vector<2000x128xf32>
    %dot_general3A_67 = tpu.matmul %add3A_62, %get3A_65, %dot_general3A_66 {dimension_numbers = #tpu.dot_dimension_numbers<[1], [0], [0], [1], [0, 0, 1, 1], [], []>, transpose_lhs_hint = false} : vector<2000x128xf32>, vector<128x128xf32>, vector<2000x128xf32> -> vector<2000x128xf32>
    %get3A_68 = arith.constant 0 : index
    %get3A_69 = arith.constant 0 : index
    %get3A_70 = vector.load %arg13[%get3A_68, %get3A_69] : memref<1x128xf32, #tpu.memory_space<vmem>>, vector<1x128xf32>
    %add3A_71 = vector.broadcast %get3A_70 : vector<1x128xf32> to vector<2000x128xf32>
    %add3A_72 = arith.addf %dot_general3A_67, %add3A_71 : vector<2000x128xf32>
    %mul3A_73 = arith.constant 5.000000e-01 : f32
    %mul3A_74 = vector.broadcast %mul3A_73 : f32 to vector<2000x128xf32>
    %mul3A_75 = arith.mulf %mul3A_74, %add3A_72 : vector<2000x128xf32>
    %mul3A_76 = arith.constant 0.707106769 : f32
    %mul3A_77 = vector.broadcast %mul3A_76 : f32 to vector<2000x128xf32>
    %mul3A_78 = arith.mulf %add3A_72, %mul3A_77 : vector<2000x128xf32>
    %erf3A_79 = math.erf %mul3A_78 : vector<2000x128xf32>
    %add3A_80 = arith.constant 1.000000e+00 : f32
    %add3A_81 = vector.broadcast %add3A_80 : f32 to vector<2000x128xf32>
    %add3A_82 = arith.addf %add3A_81, %erf3A_79 : vector<2000x128xf32>
    %mul3A_83 = arith.mulf %mul3A_75, %add3A_82 : vector<2000x128xf32>
    %swap3A = arith.constant 0 : index
    %swap3A_84 = arith.constant 0 : index
    %swap3A_85 = vector.load %arg14[%swap3A, %swap3A_84] : memref<2000x128xf32, #tpu.memory_space<vmem>>, vector<2000x128xf32>
    tpu.vector_store %arg14[%swap3A, %swap3A_84], %mul3A_83 {strides = array<i32>} : memref<2000x128xf32, #tpu.memory_space<vmem>>, vector<2000x128xf32>,
    return
  }
  func.func @transform_0(%arg0: i32) -> (i32, i32) {
    %c0_i32 = arith.constant 0 : i32
    %c0_i32_0 = arith.constant 0 : i32
    return %arg0, %c0_i32 : i32, i32
  }
  func.func @transform_1(%arg0: i32) -> (i32, i32) {
    %c0_i32 = arith.constant 0 : i32
    %c0_i32_0 = arith.constant 0 : i32
    %c0_i32_1 = arith.constant 0 : i32
    return %c0_i32, %c0_i32_0 : i32, i32
  }
  func.func @transform_2(%arg0: i32) -> (i32, i32) {
    %c0_i32 = arith.constant 0 : i32
    %c0_i32_0 = arith.constant 0 : i32
    %c0_i32_1 = arith.constant 0 : i32
    return %c0_i32, %c0_i32_0 : i32, i32
  }
  func.func @transform_3(%arg0: i32) -> (i32, i32) {
    %c0_i32 = arith.constant 0 : i32
    %c0_i32_0 = arith.constant 0 : i32
    %c0_i32_1 = arith.constant 0 : i32
    return %c0_i32, %c0_i32_0 : i32, i32
  }
  func.func @transform_4(%arg0: i32) -> (i32, i32) {
    %c0_i32 = arith.constant 0 : i32
    %c0_i32_0 = arith.constant 0 : i32
    %c0_i32_1 = arith.constant 0 : i32
    return %c0_i32, %c0_i32_0 : i32, i32
  }
  func.func @transform_5(%arg0: i32) -> (i32, i32) {
    %c0_i32 = arith.constant 0 : i32
    %c0_i32_0 = arith.constant 0 : i32
    %c0_i32_1 = arith.constant 0 : i32
    return %c0_i32, %c0_i32_0 : i32, i32
  }
  func.func @transform_6(%arg0: i32) -> (i32, i32) {
    %c0_i32 = arith.constant 0 : i32
    %c0_i32_0 = arith.constant 0 : i32
    %c0_i32_1 = arith.constant 0 : i32
    return %c0_i32, %c0_i32_0 : i32, i32
  }
  func.func @transform_7(%arg0: i32) -> (i32, i32) {
    %c0_i32 = arith.constant 0 : i32
    %c0_i32_0 = arith.constant 0 : i32
    %c0_i32_1 = arith.constant 0 : i32
    return %c0_i32, %c0_i32_0 : i32, i32
  }
  func.func @transform_8(%arg0: i32) -> (i32, i32) {
    %c0_i32 = arith.constant 0 : i32
    %c0_i32_0 = arith.constant 0 : i32
    %c0_i32_1 = arith.constant 0 : i32
    return %c0_i32, %c0_i32_0 : i32, i32
  }
  func.func @transform_9(%arg0: i32) -> (i32, i32) {
    %c0_i32 = arith.constant 0 : i32
    %c0_i32_0 = arith.constant 0 : i32
    %c0_i32_1 = arith.constant 0 : i32
    return %c0_i32, %c0_i32_0 : i32, i32
  }
  func.func @transform_10(%arg0: i32) -> (i32, i32) {
    %c0_i32 = arith.constant 0 : i32
    %c0_i32_0 = arith.constant 0 : i32
    %c0_i32_1 = arith.constant 0 : i32
    return %c0_i32, %c0_i32_0 : i32, i32
  }
  func.func @transform_11(%arg0: i32) -> (i32, i32) {
    %c0_i32 = arith.constant 0 : i32
    %c0_i32_0 = arith.constant 0 : i32
    %c0_i32_1 = arith.constant 0 : i32
    return %c0_i32, %c0_i32_0 : i32, i32
  }
  func.func @transform_12(%arg0: i32) -> (i32, i32) {
    %c0_i32 = arith.constant 0 : i32
    %c0_i32_0 = arith.constant 0 : i32
    %c0_i32_1 = arith.constant 0 : i32
    return %c0_i32, %c0_i32_0 : i32, i32
  }
  func.func @transform_13(%arg0: i32) -> (i32, i32) {
    %c0_i32 = arith.constant 0 : i32
    %c0_i32_0 = arith.constant 0 : i32
    return %arg0, %c0_i32 : i32, i32
  }
}

module attributes {stable_mosaic.version = 14 : i64} {
  func.func @_edge_mul_body(%arg0: i32, %arg1: memref<8000x16xf32, #tpu.memory_space<vmem>>, %arg2: memref<16x128xf32, #tpu.memory_space<vmem>>, %arg3: memref<1x128xf32, #tpu.memory_space<vmem>>, %arg4: memref<128x128xf32, #tpu.memory_space<vmem>>, %arg5: memref<1x128xf32, #tpu.memory_space<vmem>>, %arg6: memref<8000x128xf32, #tpu.memory_space<vmem>>, %arg7: memref<8000x128xf32, #tpu.memory_space<vmem>>) attributes {dimension_semantics = [#tpu.dimension_semantics<arbitrary>], iteration_bounds = array<i64: 40>, scalar_prefetch = 0 : i64, scratch_operands = 0 : i64, tpu.core_type = #tpu.core_type<tc>, window_params = [{transform_indices = @transform_0, window_bounds = array<i64: 8000, 16>}, {pipeline_mode = #tpu.pipeline_mode<synchronous>, transform_indices = @transform_1, window_bounds = array<i64: 16, 128>}, {pipeline_mode = #tpu.pipeline_mode<synchronous>, transform_indices = @transform_2, window_bounds = array<i64: 1, 128>}, {pipeline_mode = #tpu.pipeline_mode<synchronous>, transform_indices = @transform_3, window_bounds = array<i64: 128, 128>}, {pipeline_mode = #tpu.pipeline_mode<synchronous>, transform_indices = @transform_4, window_bounds = array<i64: 1, 128>}, {transform_indices = @transform_5, window_bounds = array<i64: 8000, 128>}, {transform_indices = @transform_6, window_bounds = array<i64: 8000, 128>}]} {
    %get3A = arith.constant 0 : index
    %get3A_0 = arith.constant 0 : index
    %get3A_1 = vector.load %arg1[%get3A, %get3A_0] : memref<8000x16xf32, #tpu.memory_space<vmem>>, vector<8000x16xf32>
    %get3A_2 = arith.constant 0 : index
    %get3A_3 = arith.constant 0 : index
    %get3A_4 = vector.load %arg2[%get3A_2, %get3A_3] : memref<16x128xf32, #tpu.memory_space<vmem>>, vector<16x128xf32>
    %dot_general3A = arith.constant dense<0.000000e+00> : vector<8000x128xf32>
    %dot_general3A_5 = tpu.matmul %get3A_1, %get3A_4, %dot_general3A {dimension_numbers = #tpu.dot_dimension_numbers<[1], [0], [0], [1], [0, 0, 1, 1], [], []>, transpose_lhs_hint = false} : vector<8000x16xf32>, vector<16x128xf32>, vector<8000x128xf32> -> vector<8000x128xf32>
    %get3A_6 = arith.constant 0 : index
    %get3A_7 = arith.constant 0 : index
    %get3A_8 = vector.load %arg3[%get3A_6, %get3A_7] : memref<1x128xf32, #tpu.memory_space<vmem>>, vector<1x128xf32>
    %add3A = vector.broadcast %get3A_8 : vector<1x128xf32> to vector<8000x128xf32>
    %add3A_9 = arith.addf %dot_general3A_5, %add3A : vector<8000x128xf32>
    %mul3A = arith.constant 5.000000e-01 : f32
    %mul3A_10 = vector.broadcast %mul3A : f32 to vector<8000x128xf32>
    %mul3A_11 = arith.mulf %mul3A_10, %add3A_9 : vector<8000x128xf32>
    %mul3A_12 = arith.constant 0.707106769 : f32
    %mul3A_13 = vector.broadcast %mul3A_12 : f32 to vector<8000x128xf32>
    %mul3A_14 = arith.mulf %add3A_9, %mul3A_13 : vector<8000x128xf32>
    %erf3A = math.erf %mul3A_14 : vector<8000x128xf32>
    %add3A_15 = arith.constant 1.000000e+00 : f32
    %add3A_16 = vector.broadcast %add3A_15 : f32 to vector<8000x128xf32>
    %add3A_17 = arith.addf %add3A_16, %erf3A : vector<8000x128xf32>
    %mul3A_18 = arith.mulf %mul3A_11, %add3A_17 : vector<8000x128xf32>
    %get3A_19 = arith.constant 0 : index
    %get3A_20 = arith.constant 0 : index
    %get3A_21 = vector.load %arg4[%get3A_19, %get3A_20] : memref<128x128xf32, #tpu.memory_space<vmem>>, vector<128x128xf32>
    %dot_general3A_22 = arith.constant dense<0.000000e+00> : vector<8000x128xf32>
    %dot_general3A_23 = tpu.matmul %mul3A_18, %get3A_21, %dot_general3A_22 {dimension_numbers = #tpu.dot_dimension_numbers<[1], [0], [0], [1], [0, 0, 1, 1], [], []>, transpose_lhs_hint = false} : vector<8000x128xf32>, vector<128x128xf32>, vector<8000x128xf32> -> vector<8000x128xf32>
    %get3A_24 = arith.constant 0 : index
    %get3A_25 = arith.constant 0 : index
    %get3A_26 = vector.load %arg5[%get3A_24, %get3A_25] : memref<1x128xf32, #tpu.memory_space<vmem>>, vector<1x128xf32>
    %add3A_27 = vector.broadcast %get3A_26 : vector<1x128xf32> to vector<8000x128xf32>
    %add3A_28 = arith.addf %dot_general3A_23, %add3A_27 : vector<8000x128xf32>
    %mul3A_29 = arith.constant 5.000000e-01 : f32
    %mul3A_30 = vector.broadcast %mul3A_29 : f32 to vector<8000x128xf32>
    %mul3A_31 = arith.mulf %mul3A_30, %add3A_28 : vector<8000x128xf32>
    %mul3A_32 = arith.constant 0.707106769 : f32
    %mul3A_33 = vector.broadcast %mul3A_32 : f32 to vector<8000x128xf32>
    %mul3A_34 = arith.mulf %add3A_28, %mul3A_33 : vector<8000x128xf32>
    %erf3A_35 = math.erf %mul3A_34 : vector<8000x128xf32>
    %add3A_36 = arith.constant 1.000000e+00 : f32
    %add3A_37 = vector.broadcast %add3A_36 : f32 to vector<8000x128xf32>
    %add3A_38 = arith.addf %add3A_37, %erf3A_35 : vector<8000x128xf32>
    %mul3A_39 = arith.mulf %mul3A_31, %add3A_38 : vector<8000x128xf32>
    %get3A_40 = arith.constant 0 : index
    %get3A_41 = arith.constant 0 : index
    %get3A_42 = vector.load %arg6[%get3A_40, %get3A_41] : memref<8000x128xf32, #tpu.memory_space<vmem>>, vector<8000x128xf32>
    %mul3A_43 = arith.mulf %mul3A_39, %get3A_42 : vector<8000x128xf32>
    %swap3A = arith.constant 0 : index
    %swap3A_44 = arith.constant 0 : index
    %swap3A_45 = vector.load %arg7[%swap3A, %swap3A_44] : memref<8000x128xf32, #tpu.memory_space<vmem>>, vector<8000x128xf32>
    tpu.vector_store %arg7[%swap3A, %swap3A_44], %mul3A_43 {strides = array<i32>} : memref<8000x128xf32, #tpu.memory_space<vmem>>, vector<8000x128xf32>,
    return
  }
  func.func @transform_0(%arg0: i32) -> (i32, i32) {
    %c0_i32 = arith.constant 0 : i32
    %c0_i32_0 = arith.constant 0 : i32
    return %arg0, %c0_i32 : i32, i32
  }
  func.func @transform_1(%arg0: i32) -> (i32, i32) {
    %c0_i32 = arith.constant 0 : i32
    %c0_i32_0 = arith.constant 0 : i32
    %c0_i32_1 = arith.constant 0 : i32
    return %c0_i32, %c0_i32_0 : i32, i32
  }
  func.func @transform_2(%arg0: i32) -> (i32, i32) {
    %c0_i32 = arith.constant 0 : i32
    %c0_i32_0 = arith.constant 0 : i32
    %c0_i32_1 = arith.constant 0 : i32
    return %c0_i32, %c0_i32_0 : i32, i32
  }
  func.func @transform_3(%arg0: i32) -> (i32, i32) {
    %c0_i32 = arith.constant 0 : i32
    %c0_i32_0 = arith.constant 0 : i32
    %c0_i32_1 = arith.constant 0 : i32
    return %c0_i32, %c0_i32_0 : i32, i32
  }
  func.func @transform_4(%arg0: i32) -> (i32, i32) {
    %c0_i32 = arith.constant 0 : i32
    %c0_i32_0 = arith.constant 0 : i32
    %c0_i32_1 = arith.constant 0 : i32
    return %c0_i32, %c0_i32_0 : i32, i32
  }
  func.func @transform_5(%arg0: i32) -> (i32, i32) {
    %c0_i32 = arith.constant 0 : i32
    %c0_i32_0 = arith.constant 0 : i32
    return %arg0, %c0_i32 : i32, i32
  }
  func.func @transform_6(%arg0: i32) -> (i32, i32) {
    %c0_i32 = arith.constant 0 : i32
    %c0_i32_0 = arith.constant 0 : i32
    return %arg0, %c0_i32 : i32, i32
  }
}

module attributes {stable_mosaic.version = 14 : i64} {
  func.func @_final_body(%arg0: i32, %arg1: memref<1000x128xf32, #tpu.memory_space<vmem>>, %arg2: memref<2x1000x128xf32, #tpu.memory_space<vmem>>, %arg3: memref<2x1000x128xf32, #tpu.memory_space<vmem>>, %arg4: memref<1x256xf32, #tpu.memory_space<vmem>>, %arg5: memref<1x256xf32, #tpu.memory_space<vmem>>, %arg6: memref<1x256xf32, #tpu.memory_space<vmem>>, %arg7: memref<1x256xf32, #tpu.memory_space<vmem>>, %arg8: memref<256x128xf32, #tpu.memory_space<vmem>>, %arg9: memref<1x128xf32, #tpu.memory_space<vmem>>, %arg10: memref<1x128xf32, #tpu.memory_space<vmem>>, %arg11: memref<1x128xf32, #tpu.memory_space<vmem>>, %arg12: memref<1x128xf32, #tpu.memory_space<vmem>>, %arg13: memref<1x128xf32, #tpu.memory_space<vmem>>, %arg14: memref<128x128xf32, #tpu.memory_space<vmem>>, %arg15: memref<1x128xf32, #tpu.memory_space<vmem>>, %arg16: memref<1000x128xf32, #tpu.memory_space<vmem>>) attributes {dimension_semantics = [#tpu.dimension_semantics<arbitrary>], iteration_bounds = array<i64: 10>, scalar_prefetch = 0 : i64, scratch_operands = 0 : i64, tpu.core_type = #tpu.core_type<tc>, window_params = [{transform_indices = @transform_0, window_bounds = array<i64: 1000, 128>}, {transform_indices = @transform_1, window_bounds = array<i64: 2, 1000, 128>}, {transform_indices = @transform_2, window_bounds = array<i64: 2, 1000, 128>}, {pipeline_mode = #tpu.pipeline_mode<synchronous>, transform_indices = @transform_3, window_bounds = array<i64: 1, 256>}, {pipeline_mode = #tpu.pipeline_mode<synchronous>, transform_indices = @transform_4, window_bounds = array<i64: 1, 256>}, {pipeline_mode = #tpu.pipeline_mode<synchronous>, transform_indices = @transform_5, window_bounds = array<i64: 1, 256>}, {pipeline_mode = #tpu.pipeline_mode<synchronous>, transform_indices = @transform_6, window_bounds = array<i64: 1, 256>}, {pipeline_mode = #tpu.pipeline_mode<synchronous>, transform_indices = @transform_7, window_bounds = array<i64: 256, 128>}, {pipeline_mode = #tpu.pipeline_mode<synchronous>, transform_indices = @transform_8, window_bounds = array<i64: 1, 128>}, {pipeline_mode = #tpu.pipeline_mode<synchronous>, transform_indices = @transform_9, window_bounds = array<i64: 1, 128>}, {pipeline_mode = #tpu.pipeline_mode<synchronous>, transform_indices = @transform_10, window_bounds = array<i64: 1, 128>}, {pipeline_mode = #tpu.pipeline_mode<synchronous>, transform_indices = @transform_11, window_bounds = array<i64: 1, 128>}, {pipeline_mode = #tpu.pipeline_mode<synchronous>, transform_indices = @transform_12, window_bounds = array<i64: 1, 128>}, {pipeline_mode = #tpu.pipeline_mode<synchronous>, transform_indices = @transform_13, window_bounds = array<i64: 128, 128>}, {pipeline_mode = #tpu.pipeline_mode<synchronous>, transform_indices = @transform_14, window_bounds = array<i64: 1, 128>}, {transform_indices = @transform_15, window_bounds = array<i64: 1000, 128>}]} {
    %get3A = arith.constant 0 : index
    %get3A_0 = arith.constant 0 : index
    %get3A_1 = arith.constant 0 : index
    %get3A_2 = vector.load %arg2[%get3A, %get3A_0, %get3A_1] : memref<2x1000x128xf32, #tpu.memory_space<vmem>>, vector<1x1000x128xf32>
    %get3A_3 = vector.shape_cast %get3A_2 : vector<1x1000x128xf32> to vector<1000x128xf32>
    %get3A_4 = arith.constant 1 : index
    %get3A_5 = arith.constant 0 : index
    %get3A_6 = arith.constant 0 : index
    %get3A_7 = vector.load %arg2[%get3A_4, %get3A_5, %get3A_6] : memref<2x1000x128xf32, #tpu.memory_space<vmem>>, vector<1x1000x128xf32>
    %get3A_8 = vector.shape_cast %get3A_7 : vector<1x1000x128xf32> to vector<1000x128xf32>
    %add3A = arith.addf %get3A_3, %get3A_8 : vector<1000x128xf32>
    %get3A_9 = arith.constant 0 : index
    %get3A_10 = arith.constant 0 : index
    %get3A_11 = arith.constant 0 : index
    %get3A_12 = vector.load %arg3[%get3A_9, %get3A_10, %get3A_11] : memref<2x1000x128xf32, #tpu.memory_space<vmem>>, vector<1x1000x128xf32>
    %get3A_13 = vector.shape_cast %get3A_12 : vector<1x1000x128xf32> to vector<1000x128xf32>
    %get3A_14 = arith.constant 1 : index
    %get3A_15 = arith.constant 0 : index
    %get3A_16 = arith.constant 0 : index
    %get3A_17 = vector.load %arg3[%get3A_14, %get3A_15, %get3A_16] : memref<2x1000x128xf32, #tpu.memory_space<vmem>>, vector<1x1000x128xf32>
    %get3A_18 = vector.shape_cast %get3A_17 : vector<1x1000x128xf32> to vector<1000x128xf32>
    %add3A_19 = arith.addf %get3A_13, %get3A_18 : vector<1000x128xf32>
    %slice3A = vector.extract_strided_slice %add3A_19 {offsets = [0, 0], sizes = [1000, 1], strides = [1, 1]} : vector<1000x128xf32> to vector<1000x1xf32>
    %max3A = arith.constant 1.000000e+00 : f32
    %max3A_20 = vector.broadcast %max3A : f32 to vector<1000x1xf32>
    %max3A_21 = arith.maximumf %slice3A, %max3A_20 : vector<1000x1xf32>
    %div3A = vector.broadcast %max3A_21 : vector<1000x1xf32> to vector<1000x128xf32>
    %div3A_22 = arith.divf %add3A, %div3A : vector<1000x128xf32>
    %get3A_23 = arith.constant 0 : index
    %get3A_24 = arith.constant 0 : index
    %get3A_25 = vector.load %arg1[%get3A_23, %get3A_24] : memref<1000x128xf32, #tpu.memory_space<vmem>>, vector<1000x128xf32>
    %concatenate3A = tpu.concatenate %get3A_25, %div3A_22 in 1 : vector<1000x128xf32>, vector<1000x128xf32> -> vector<1000x256xf32>
    %get3A_26 = arith.constant 0 : index
    %get3A_27 = arith.constant 0 : index
    %get3A_28 = vector.load %arg4[%get3A_26, %get3A_27] : memref<1x256xf32, #tpu.memory_space<vmem>>, vector<1x256xf32>
    %get3A_29 = arith.constant 0 : index
    %get3A_30 = arith.constant 0 : index
    %get3A_31 = vector.load %arg5[%get3A_29, %get3A_30] : memref<1x256xf32, #tpu.memory_space<vmem>>, vector<1x256xf32>
    %get3A_32 = arith.constant 0 : index
    %get3A_33 = arith.constant 0 : index
    %get3A_34 = vector.load %arg6[%get3A_32, %get3A_33] : memref<1x256xf32, #tpu.memory_space<vmem>>, vector<1x256xf32>
    %get3A_35 = arith.constant 0 : index
    %get3A_36 = arith.constant 0 : index
    %get3A_37 = vector.load %arg7[%get3A_35, %get3A_36] : memref<1x256xf32, #tpu.memory_space<vmem>>, vector<1x256xf32>
    %sub3A = vector.broadcast %get3A_34 : vector<1x256xf32> to vector<1000x256xf32>
    %sub3A_38 = arith.subf %concatenate3A, %sub3A : vector<1000x256xf32>
    %add3A_39 = arith.constant 1.000000e-03 : f32
    %add3A_40 = vector.broadcast %add3A_39 : f32 to vector<1x256xf32>
    %add3A_41 = arith.addf %get3A_37, %add3A_40 : vector<1x256xf32>
    %rsqrt3A = math.rsqrt %add3A_41 : vector<1x256xf32>
    %mul3A = arith.mulf %get3A_28, %rsqrt3A : vector<1x256xf32>
    %mul3A_42 = vector.broadcast %mul3A : vector<1x256xf32> to vector<1000x256xf32>
    %mul3A_43 = arith.mulf %sub3A_38, %mul3A_42 : vector<1000x256xf32>
    %add3A_44 = vector.broadcast %get3A_31 : vector<1x256xf32> to vector<1000x256xf32>
    %add3A_45 = arith.addf %mul3A_43, %add3A_44 : vector<1000x256xf32>
    %get3A_46 = arith.constant 0 : index
    %get3A_47 = arith.constant 0 : index
    %get3A_48 = vector.load %arg8[%get3A_46, %get3A_47] : memref<256x128xf32, #tpu.memory_space<vmem>>, vector<256x128xf32>
    %dot_general3A = arith.constant dense<0.000000e+00> : vector<1000x128xf32>
    %dot_general3A_49 = tpu.matmul %add3A_45, %get3A_48, %dot_general3A {dimension_numbers = #tpu.dot_dimension_numbers<[1], [0], [0], [1], [0, 0, 1, 1], [], []>, transpose_lhs_hint = false} : vector<1000x256xf32>, vector<256x128xf32>, vector<1000x128xf32> -> vector<1000x128xf32>
    %get3A_50 = arith.constant 0 : index
    %get3A_51 = arith.constant 0 : index
    %get3A_52 = vector.load %arg9[%get3A_50, %get3A_51] : memref<1x128xf32, #tpu.memory_space<vmem>>, vector<1x128xf32>
    %add3A_53 = vector.broadcast %get3A_52 : vector<1x128xf32> to vector<1000x128xf32>
    %add3A_54 = arith.addf %dot_general3A_49, %add3A_53 : vector<1000x128xf32>
    %mul3A_55 = arith.constant 5.000000e-01 : f32
    %mul3A_56 = vector.broadcast %mul3A_55 : f32 to vector<1000x128xf32>
    %mul3A_57 = arith.mulf %mul3A_56, %add3A_54 : vector<1000x128xf32>
    %mul3A_58 = arith.constant 0.707106769 : f32
    %mul3A_59 = vector.broadcast %mul3A_58 : f32 to vector<1000x128xf32>
    %mul3A_60 = arith.mulf %add3A_54, %mul3A_59 : vector<1000x128xf32>
    %erf3A = math.erf %mul3A_60 : vector<1000x128xf32>
    %add3A_61 = arith.constant 1.000000e+00 : f32
    %add3A_62 = vector.broadcast %add3A_61 : f32 to vector<1000x128xf32>
    %add3A_63 = arith.addf %add3A_62, %erf3A : vector<1000x128xf32>
    %mul3A_64 = arith.mulf %mul3A_57, %add3A_63 : vector<1000x128xf32>
    %get3A_65 = arith.constant 0 : index
    %get3A_66 = arith.constant 0 : index
    %get3A_67 = vector.load %arg10[%get3A_65, %get3A_66] : memref<1x128xf32, #tpu.memory_space<vmem>>, vector<1x128xf32>
    %get3A_68 = arith.constant 0 : index
    %get3A_69 = arith.constant 0 : index
    %get3A_70 = vector.load %arg11[%get3A_68, %get3A_69] : memref<1x128xf32, #tpu.memory_space<vmem>>, vector<1x128xf32>
    %get3A_71 = arith.constant 0 : index
    %get3A_72 = arith.constant 0 : index
    %get3A_73 = vector.load %arg12[%get3A_71, %get3A_72] : memref<1x128xf32, #tpu.memory_space<vmem>>, vector<1x128xf32>
    %get3A_74 = arith.constant 0 : index
    %get3A_75 = arith.constant 0 : index
    %get3A_76 = vector.load %arg13[%get3A_74, %get3A_75] : memref<1x128xf32, #tpu.memory_space<vmem>>, vector<1x128xf32>
    %sub3A_77 = vector.broadcast %get3A_73 : vector<1x128xf32> to vector<1000x128xf32>
    %sub3A_78 = arith.subf %mul3A_64, %sub3A_77 : vector<1000x128xf32>
    %add3A_79 = arith.constant 1.000000e-03 : f32
    %add3A_80 = vector.broadcast %add3A_79 : f32 to vector<1x128xf32>
    %add3A_81 = arith.addf %get3A_76, %add3A_80 : vector<1x128xf32>
    %rsqrt3A_82 = math.rsqrt %add3A_81 : vector<1x128xf32>
    %mul3A_83 = arith.mulf %get3A_67, %rsqrt3A_82 : vector<1x128xf32>
    %mul3A_84 = vector.broadcast %mul3A_83 : vector<1x128xf32> to vector<1000x128xf32>
    %mul3A_85 = arith.mulf %sub3A_78, %mul3A_84 : vector<1000x128xf32>
    %add3A_86 = vector.broadcast %get3A_70 : vector<1x128xf32> to vector<1000x128xf32>
    %add3A_87 = arith.addf %mul3A_85, %add3A_86 : vector<1000x128xf32>
    %get3A_88 = arith.constant 0 : index
    %get3A_89 = arith.constant 0 : index
    %get3A_90 = vector.load %arg14[%get3A_88, %get3A_89] : memref<128x128xf32, #tpu.memory_space<vmem>>, vector<128x128xf32>
    %dot_general3A_91 = arith.constant dense<0.000000e+00> : vector<1000x128xf32>
    %dot_general3A_92 = tpu.matmul %add3A_87, %get3A_90, %dot_general3A_91 {dimension_numbers = #tpu.dot_dimension_numbers<[1], [0], [0], [1], [0, 0, 1, 1], [], []>, transpose_lhs_hint = false} : vector<1000x128xf32>, vector<128x128xf32>, vector<1000x128xf32> -> vector<1000x128xf32>
    %get3A_93 = arith.constant 0 : index
    %get3A_94 = arith.constant 0 : index
    %get3A_95 = vector.load %arg15[%get3A_93, %get3A_94] : memref<1x128xf32, #tpu.memory_space<vmem>>, vector<1x128xf32>
    %add3A_96 = vector.broadcast %get3A_95 : vector<1x128xf32> to vector<1000x128xf32>
    %add3A_97 = arith.addf %dot_general3A_92, %add3A_96 : vector<1000x128xf32>
    %mul3A_98 = arith.constant 5.000000e-01 : f32
    %mul3A_99 = vector.broadcast %mul3A_98 : f32 to vector<1000x128xf32>
    %mul3A_100 = arith.mulf %mul3A_99, %add3A_97 : vector<1000x128xf32>
    %mul3A_101 = arith.constant 0.707106769 : f32
    %mul3A_102 = vector.broadcast %mul3A_101 : f32 to vector<1000x128xf32>
    %mul3A_103 = arith.mulf %add3A_97, %mul3A_102 : vector<1000x128xf32>
    %erf3A_104 = math.erf %mul3A_103 : vector<1000x128xf32>
    %add3A_105 = arith.constant 1.000000e+00 : f32
    %add3A_106 = vector.broadcast %add3A_105 : f32 to vector<1000x128xf32>
    %add3A_107 = arith.addf %add3A_106, %erf3A_104 : vector<1000x128xf32>
    %mul3A_108 = arith.mulf %mul3A_100, %add3A_107 : vector<1000x128xf32>
    %swap3A = arith.constant 0 : index
    %swap3A_109 = arith.constant 0 : index
    %swap3A_110 = vector.load %arg16[%swap3A, %swap3A_109] : memref<1000x128xf32, #tpu.memory_space<vmem>>, vector<1000x128xf32>
    tpu.vector_store %arg16[%swap3A, %swap3A_109], %mul3A_108 {strides = array<i32>} : memref<1000x128xf32, #tpu.memory_space<vmem>>, vector<1000x128xf32>,
    return
  }
  func.func @transform_0(%arg0: i32) -> (i32, i32) {
    %c0_i32 = arith.constant 0 : i32
    %c0_i32_0 = arith.constant 0 : i32
    return %arg0, %c0_i32 : i32, i32
  }
  func.func @transform_1(%arg0: i32) -> (i32, i32, i32) {
    %c0_i32 = arith.constant 0 : i32
    %c0_i32_0 = arith.constant 0 : i32
    %c0_i32_1 = arith.constant 0 : i32
    return %c0_i32, %arg0, %c0_i32_0 : i32, i32, i32
  }
  func.func @transform_2(%arg0: i32) -> (i32, i32, i32) {
    %c0_i32 = arith.constant 0 : i32
    %c0_i32_0 = arith.constant 0 : i32
    %c0_i32_1 = arith.constant 0 : i32
    return %c0_i32, %arg0, %c0_i32_0 : i32, i32, i32
  }
  func.func @transform_3(%arg0: i32) -> (i32, i32) {
    %c0_i32 = arith.constant 0 : i32
    %c0_i32_0 = arith.constant 0 : i32
    %c0_i32_1 = arith.constant 0 : i32
    return %c0_i32, %c0_i32_0 : i32, i32
  }
  func.func @transform_4(%arg0: i32) -> (i32, i32) {
    %c0_i32 = arith.constant 0 : i32
    %c0_i32_0 = arith.constant 0 : i32
    %c0_i32_1 = arith.constant 0 : i32
    return %c0_i32, %c0_i32_0 : i32, i32
  }
  func.func @transform_5(%arg0: i32) -> (i32, i32) {
    %c0_i32 = arith.constant 0 : i32
    %c0_i32_0 = arith.constant 0 : i32
    %c0_i32_1 = arith.constant 0 : i32
    return %c0_i32, %c0_i32_0 : i32, i32
  }
  func.func @transform_6(%arg0: i32) -> (i32, i32) {
    %c0_i32 = arith.constant 0 : i32
    %c0_i32_0 = arith.constant 0 : i32
    %c0_i32_1 = arith.constant 0 : i32
    return %c0_i32, %c0_i32_0 : i32, i32
  }
  func.func @transform_7(%arg0: i32) -> (i32, i32) {
    %c0_i32 = arith.constant 0 : i32
    %c0_i32_0 = arith.constant 0 : i32
    %c0_i32_1 = arith.constant 0 : i32
    return %c0_i32, %c0_i32_0 : i32, i32
  }
  func.func @transform_8(%arg0: i32) -> (i32, i32) {
    %c0_i32 = arith.constant 0 : i32
    %c0_i32_0 = arith.constant 0 : i32
    %c0_i32_1 = arith.constant 0 : i32
    return %c0_i32, %c0_i32_0 : i32, i32
  }
  func.func @transform_9(%arg0: i32) -> (i32, i32) {
    %c0_i32 = arith.constant 0 : i32
    %c0_i32_0 = arith.constant 0 : i32
    %c0_i32_1 = arith.constant 0 : i32
    return %c0_i32, %c0_i32_0 : i32, i32
  }
  func.func @transform_10(%arg0: i32) -> (i32, i32) {
    %c0_i32 = arith.constant 0 : i32
    %c0_i32_0 = arith.constant 0 : i32
    %c0_i32_1 = arith.constant 0 : i32
    return %c0_i32, %c0_i32_0 : i32, i32
  }
  func.func @transform_11(%arg0: i32) -> (i32, i32) {
    %c0_i32 = arith.constant 0 : i32
    %c0_i32_0 = arith.constant 0 : i32
    %c0_i32_1 = arith.constant 0 : i32
    return %c0_i32, %c0_i32_0 : i32, i32
  }
  func.func @transform_12(%arg0: i32) -> (i32, i32) {
    %c0_i32 = arith.constant 0 : i32
    %c0_i32_0 = arith.constant 0 : i32
    %c0_i32_1 = arith.constant 0 : i32
    return %c0_i32, %c0_i32_0 : i32, i32
  }
  func.func @transform_13(%arg0: i32) -> (i32, i32) {
    %c0_i32 = arith.constant 0 : i32
    %c0_i32_0 = arith.constant 0 : i32
    %c0_i32_1 = arith.constant 0 : i32
    return %c0_i32, %c0_i32_0 : i32, i32
  }
  func.func @transform_14(%arg0: i32) -> (i32, i32) {
    %c0_i32 = arith.constant 0 : i32
    %c0_i32_0 = arith.constant 0 : i32
    %c0_i32_1 = arith.constant 0 : i32
    return %c0_i32, %c0_i32_0 : i32, i32
  }
  func.func @transform_15(%arg0: i32) -> (i32, i32) {
    %c0_i32 = arith.constant 0 : i32
    %c0_i32_0 = arith.constant 0 : i32
    return %arg0, %c0_i32 : i32, i32
  }
}

</mosaic_0001>

<sc_bundles>
// kernel: kernel.11.cloned.1.call-start
scs
__scs_entry_jumppad:
0x0: {  	(pc) =	sbr.rel $0x88, $3  }
0x1: {  	(tag) =	ssettag $0x0;
	lr =	simm.s32 $0x1  }
0x2: {  	[smem:$0x3F82] =	sst lr;
	_ =	strace $0xD0000000  }
0x3: {  	_ = 	snop  }
0x4: {  	_ = 	snop  }
0x5: {  	_ = 	snop  }
0x6: {  	_ = 	snop  }
0x7: {  	_ = 	snop  }
__scs_overlays_trampoline_lowered:
0x8: {  	[smem:$0x3F91] =	sst s0  }
0x9: {  	[smem:$0x3F92] =	sst s1  }
0xa: {  	[smem:$0x3F93] =	sst s2  }
0xb: {  	[smem:$0x3F94] =	sst s3  }
0xc: {  	[smem:$0x3F95] =	sst s4  }
0xd: {  	[smem:$0x3F96] =	sst s5  }
0xe: {  	[smem:$0x3F97] =	sst s6  }
0xf: {  	[smem:$0x3F98] =	sst s7  }
0x10: {  	[smem:$0x3F99] =	sst s8  }
0x11: {  	[smem:$0x3F9A] =	sst s9;
	s0 =	simm.s32 @!p0 $0x0  }
0x12: {  	s1 =	sld [smem:$0x3F80];
	s0 =	simm.s32 @p0 $0x1  }
0x13: {  	[smem:$0x3F9B] =	sst s0;
	s0 =	simm.s32 @!p1 $0x0  }
0x14: {  	s2 =	sld [smem:$0x3F7F];
	s0 =	simm.s32 @p1 $0x1  }
0x15: {  	[smem:$0x3F9C] =	sst s0;
	s0 =	simm.s32 @!p2 $0x0  }
0x16: {  	s3 =	sld [smem:$0x3FDB];
	s0 =	simm.s32 @p2 $0x1  }
0x17: {  	s4 =	simm.s32 $0x1BF5;
	[smem:$0x3F9E] =	sst s0  }
0x18: {  	s0 =	sld [smem:$0x3F81];
	_ =	swait.ge [sflag:s4], $0x0  }
0x19: {  	s7 =	sld [smem:$0x3F82]  }
0x1a: {  	s8 =	sadd.s32 $0xFFFFE003, lr  }
0x1b: {  	s9 =	sadd.s32 $0xFFFFFEF7, lr;
	s5 =	simm.s32 $0xFFFFFFFF;
	p2 =	slt.u32 s8, $0xFFFFF086  }
0x1c: {  	p1 =	slt.u32 s9, $0xF7A;
	s5 =	simm.s32 @!p2 $0x0  }
0x1d: {  	s5 =	simm.s32 @p1 $0x1;
	p0 =	seq.s32 s7, s2  }
0x1e: {  	s7 =	smul.u32 @!p0 $0xF7A, s2;
	p2 =	seq.s32 @!p0 s5, $0x0  }
0x1f: {  	s9 =	smul.u32 $0xF7A, s1;
	s8 =	simm.s32 @!p0 $0x1BF5;
	p2 =	por !p2, p0  }
0x20: {  	[sflag:s8] =	ssyncset.s32 @!p0 $0xFFFFF086;
	s6 =	sadd.s32 @!p0 s3, s7;
	s7 =	simm.s32 @!p0 $0x108  }
0x21: {  	s3 =	sadd.s32 s3, s9;
	s6 =	sadd.s32 @!p0 $0x88, s6;
	s7 =	simm.s32 @p2 $0x1082  }
0x22: {  	[simem:s7], [sflag:s8] =	dma.local @!p0 [hbm:s6], $0xF7A  }
0x23: {  	s9 =	sor.u32 $0xD0000000, s2;
	s6 =	simm.s32 $0x108;
	_ =	swait.ge @!p0 [sflag:s8], $0x0  }
0x24: {  	s3 =	sadd.s32 $0x88, s3;
	s6 =	simm.s32 @!p1 $0x1082;
	[sflag:s4] =	ssyncset.s32 $0xFFFFF086  }
0x25: {  	[simem:s6], [sflag:s4] =	dma.local [hbm:s3], $0xF7A  }
0x26: {  	[smem:$0x3F82] =	sst s1;
	(tag) =	ssettag s2;
	_ =	strace s9  }
0x27: {  	s1 =	sld [smem:$0x3F92]  }
0x28: {  	s2 =	sld [smem:$0x3F93]  }
0x29: {  	s4 =	sld [smem:$0x3F95]  }
0x2a: {  	p0 =	seq.s32 s5, $0x0;
	s5 =	sld [smem:$0x3F96]  }
0x2b: {  	s6 =	sld [smem:$0x3F97]  }
0x2c: {  	s7 =	sld [smem:$0x3F98]  }
0x2d: {  	s3 =	simm.s32 $0x108;
	s8 =	sld [smem:$0x3F99]  }
0x2e: {  	s3 =	simm.s32 @!p0 $0x1082;
	s9 =	sld [smem:$0x3F9A]  }
0x2f: {  	lr =	sadd.s32 s0, s3;
	s0 =	sld [smem:$0x3F91]  }
0x30: {  	s3 =	sld [smem:$0x3F94]  }
0x31: {  	[smem:$0x3F9D] =	sst s10  }
0x32: {  	s10 =	sld [smem:$0x3F9B];
	_ =	sdelay $0x3  }
0x33: {  	p0 =	seq.s32 s10, $0x1;
	s10 =	sld [smem:$0x3F9D];
	_ =	sdelay $0x3  }
0x34: {  	[smem:$0x3F9D] =	sst s10  }
0x35: {  	s10 =	sld [smem:$0x3F9C];
	_ =	sdelay $0x3  }
0x36: {  	p1 =	seq.s32 s10, $0x1;
	s10 =	sld [smem:$0x3F9D];
	_ =	sdelay $0x3  }
0x37: {  	[smem:$0x3F9D] =	sst s10  }
0x38: {  	s10 =	sld [smem:$0x3F9E]  }
0x39: {  	_ = 	snop;
	(pc) =	sbr.ind lr, $3  }
0x3a: {  	_ = 	snop  }
0x3b: {  	_ = 	snop  }
0x3c: {  	p2 =	seq.s32 s10, $0x1;
	s10 =	sld [smem:$0x3F9D]  }
0x3d: {  	_ =	shalt  }
0x3e: {  	_ =	shalt  }
0x3f: {  	_ =	shalt  }
0x40: {  	_ =	shalt  }
0x41: {  	_ =	shalt  }
0x42: {  	_ =	shalt  }
0x43: {  	_ =	shalt  }
0x44: {  	_ =	shalt  }
0x45: {  	_ =	shalt  }
0x46: {  	_ =	shalt  }
0x47: {  	_ =	shalt  }
0x48: {  	_ =	shalt  }
0x49: {  	_ =	shalt  }
0x4a: {  	_ =	shalt  }
0x4b: {  	_ =	shalt  }
0x4c: {  	_ =	shalt  }
0x4d: {  	_ =	shalt  }
0x4e: {  	_ =	shalt  }
0x4f: {  	_ =	shalt  }
0x50: {  	_ =	shalt  }
0x51: {  	_ =	shalt  }
0x52: {  	_ =	shalt  }
0x53: {  	_ =	shalt  }
0x54: {  	_ =	shalt  }
0x55: {  	_ =	shalt  }
0x56: {  	_ =	shalt  }
0x57: {  	_ =	shalt  }
0x58: {  	_ =	shalt  }
0x59: {  	_ =	shalt  }
0x5a: {  	_ =	shalt  }
0x5b: {  	_ =	shalt  }
0x5c: {  	_ =	shalt  }
0x5d: {  	_ =	shalt  }
0x5e: {  	_ =	shalt  }
0x5f: {  	_ =	shalt  }
0x60: {  	_ =	shalt  }
0x61: {  	_ =	shalt  }
0x62: {  	_ =	shalt  }
0x63: {  	_ =	shalt  }
0x64: {  	_ =	shalt  }
0x65: {  	_ =	shalt  }
0x66: {  	_ =	shalt  }
0x67: {  	_ =	shalt  }
0x68: {  	_ =	shalt  }
0x69: {  	_ =	shalt  }
0x6a: {  	_ =	shalt  }
0x6b: {  	_ =	shalt  }
0x6c: {  	_ =	shalt  }
0x6d: {  	_ =	shalt  }
0x6e: {  	_ =	shalt  }
0x6f: {  	_ =	shalt  }
0x70: {  	_ =	shalt  }
0x71: {  	_ =	shalt  }
0x72: {  	_ =	shalt  }
0x73: {  	_ =	shalt  }
0x74: {  	_ =	shalt  }
0x75: {  	_ =	shalt  }
0x76: {  	_ =	shalt  }
0x77: {  	_ =	shalt  }
0x78: {  	_ =	shalt  }
0x79: {  	_ =	shalt  }
0x7a: {  	_ =	shalt  }
0x7b: {  	_ =	shalt  }
0x7c: {  	_ =	shalt  }
0x7d: {  	_ =	shalt  }
0x7e: {  	_ =	shalt  }
0x7f: {  	_ =	shalt  }
0x80: {  	_ =	shalt  }
0x81: {  	_ =	shalt  }
0x82: {  	_ =	shalt  }
0x83: {  	_ =	shalt  }
0x84: {  	_ =	shalt  }
0x85: {  	_ =	shalt  }
0x86: {  	_ =	shalt  }
0x87: {  	_ =	shalt  }
.Lfunc_end0:
.L_simem_size_0:
called_computation.1_lowered:
.L_overlay_start_0:
0x88: {  	s2 =	sld [smem:$0x3FD9]  }
0x89: {  	s3 =	sld [smem:$0x3FFE];
	_ =	sdelay $0x1  }
0x8a: {  	s1 =	srdreg.scid  }
0x8b: {  	s0 =	sand.u32 $0x1, s1  }
0x8c: {  	s17 =	sshll.u32 s0, $0xA;
	s2 =	sadd.s32 s3, s2  }
0x8d: {  	s2 =	sadd.s32 s2, s17  }
0x8e: {  	[smem:$0x3FA9] =	sst s2  }
0x8f: {  	_ = 	snop  }
0x90: {  	(tm) =	ssettm $0x1  }
0x91: {  	s18 =	sld [smem:$0x3FFB];
	_ =	sdelay $0x3  }
0x92: {  	_ =	strace s18  }
0x93: {  	s2 =	sld [smem:$0x3FFC];
	_ =	sdelay $0x3  }
0x94: {  	_ =	strace s2  }
0x95: {  	s2 =	sld [smem:$0x3FFD];
	_ =	sdelay $0x3  }
0x96: {  	_ =	strace s2  }
0x97: {  	_ =	strace $0x8FFFFFFF  }
0x98: {  	s19 =	sld [smem:$0x3FDB];
	_ =	sdelay $0x1  }
0x99: {  	s20 =	simm.s32 $_scs_section_size  }
0x9a: {  	s4 =	simm.s32 $_size__tile_overlayer_lowered;
	s5 =	simm.s32 $_tile_overlayer_lowered  }
0x9b: {  	s6 =	simm.s32 $0x1BFF;
	s21 =	sshll.u32 s5, $0x1;
	s3 =	sadd.s32 s20, s19  }
0x9c: {  	s22 =	simm.s32 $0x0;
	s4 =	sshll.u32 s4, $0x1;
	s5 =	sadd.s32 s21, s3  }
0x9d: {  	[timem:s22], [sflag:s6] =	dma.local [hbm:s5], s4  }
0x9e: {  	_ =	swait.ge [sflag:s6], s4  }
0x9f: {  	s4 =	ssub.s32 $0x0, s4;
	[sflag:s6] =	ssyncset.done $0x0  }
0xa0: {  	[sflag:s6] =	ssyncadd.s32 s4;
	_ =	sdelay $0x1  }
0xa1: {  	s23 =	simm.s32 $0x1B8B  }
0xa2: {  	_ =	swait.ge [sflag:s23], $0x1  }
0xa3: {  	[sflag:s23] =	ssyncset.done $0x0  }
0xa4: {  	[sflag:s23] =	ssyncadd.s32 $0xFFFFFFFF  }
0xa5: {  	s4 =	sld [smem:$0x0]  }
0xa6: {  	s5 =	sand.u32 $0xFFFFFFFE, s1  }
0xa7: {  	p0 =	sne.s32 s1, s5  }
0xa8: {  	s5 =	sshll.u32 @p0 s5, $0xE  }
0xa9: {  	s5 =	sadd.s32 @p0 $0x11B8D, s5;
	s6 =	sshll.u32 @p0 s4, $0x11  }
0xaa: {  	s5 =	sor.u32 @p0 s6, s5  }
0xab: {  	[sflag:s5] =	ssyncadd.remote.s32 @p0 $0x1;
	_ =	sdelay $0x1  }
0xac: {  	s5 =	simm.s32 @p0 $0x1B8D  }
0xad: {  	_ =	swait.eq @p0 [sflag:s5], $0x1  }
0xae: {  	[sflag:s5] =	ssyncadd.s32 @p0 $0xFFFFFFFF  }
0xaf: {  	s6 =	sshll.u32 @!p0 s1, $0xE  }
0xb0: {  	s6 =	sor.u32 @!p0 $0x4000, s6;
	s5 =	simm.s32 @!p0 $0x1B8D  }
0xb1: {  	s4 =	sshll.u32 @!p0 s4, $0x11;
	s6 =	sadd.s32 @!p0 $0x11B8D, s6;
	_ =	swait.eq @!p0 [sflag:s5], $0x1  }
0xb2: {  	s4 =	sor.u32 @!p0 s4, s6;
	[sflag:s5] =	ssyncadd.s32 @!p0 $0xFFFFFFFF  }
0xb3: {  	s25 =	simm.s32 $0x1B8E;
	s24 =	sld [smem:$0x3FFE];
	[sflag:s4] =	ssyncadd.remote.s32 @!p0 $0x1  }
0xb4: {  	s26 =	simm.s32 $execute0_lowered;
	[smem:$0x3FD2] =	sst s25  }
0xb5: {  	s5 =	sshll.u32 s26, $0x1;
	_ =	strace $0x8000004C;
	[dreg:$0x1] =	wrdreg $0xFFFFFFFF  }
0xb6: {  	s28 =	simm.s32 $_size_execute0_lowered;
	s3 =	sadd.s32 s3, s5;
	[dreg:$0x0] =	wrdreg $0x0  }
0xb7: {  	s5 =	sshll.u32 s28, $0x1;
	[dreg:$0x2] =	wrdreg s3  }
0xb8: {  	[dreg:$0x3] =	wrdreg s5  }
0xb9: {  	[dreg:$0x4] =	wrdreg $0xC0  }
0xba: {  	_ =	task [dreg:s22], $0x5FFFF  }
0xbb: {  	[dreg:$0x1] =	wrdreg $0xFFFFFFFF  }
0xbc: {  	[dreg:$0x0] =	wrdreg $0x60  }
0xbd: {  	[dreg:$0x2] =	wrdreg s24  }
0xbe: {  	[dreg:$0x3] =	wrdreg $0x90000  }
0xbf: {  	[dreg:$0x4] =	wrdreg $0xA  }
0xc0: {  	_ =	task.clear_ibuf [dreg:s22], $0x5FFFF;
	_ =	strace $0x9000004C  }
0xc1: {  	s29 =	simm.s32 $0xA;
	_ =	strace $0x8000004E  }
0xc2: {  	_ =	swait.ge [sflag:s29], $0x1  }
0xc3: {  	[sflag:s29] =	ssyncadd.s32 $0xFFFFFFFF  }
0xc4: {  	_ =	strace $0x9000004E  }
0xc5: {  	_ =	sfence  }
0xc6: {  	s30 =	sld [smem:$0x0];
	_ =	sdelay $0x2  }
0xc7: {  	s31 =	sshll.u32 s1, $0xD;
	s1 =	sshrl.u32 s1, $0x2  }
0xc8: {  	s4 =	sand.u32 $0x4000, s31;
	s1 =	sadd.s32 s1, s30  }
0xc9: {  	s0 =	sor.u32 s4, s0;
	s1 =	sshll.u32 s1, $0x11  }
0xca: {  	s0 =	sor.u32 s1, s0  }
0xcb: {  	s0 =	sadd.s32 $0x8F2B, s0  }
0xcc: {  	[sflag:s0] =	ssyncadd.remote.s32 $0x1  }
0xcd: {  	_ =	sfence.sel $0xFFFF  }
0xce: {  	[dreg:$0x0] =	wrdreg $0xFFFFFFFF;
	(pc) =	sbr.abs _section_cstart, $3  }
0xcf: {  	[dreg:$0x1] =	wrdreg $0xFFFFFFFF  }
0xd0: {  	_ =	task.clear_ibuf [dreg:s22], $0x2FFFF;
	_ =	strace $0x9FFFFFFF  }
0xd1: {  	(tm) =	ssettm $0x7FFFFFFF  }
tec
execute0_lowered:
.L_overlay_start_1:
0x0: {  	(tag) =	ssettag $0x1  }
0x1: {  	s4 =	rddreg [dreg:$0x0]  }
0x2: {  	s1 =	rddreg [dreg:$0x1];
	s3 =	srdreg.scid  }
0x3: {  	s2 =	simm.s32 $0x0;
	s21 =	stileid.u32;
	s19 =	simm.s32 $0x1  }
0x4: {  	s20 =	simm.s32 $0x50;
	s23 =	simm.s32 $0x0;
	s31 =	smul.u32 $0xA000, s21  }
0x5: {  	s9 =	sand.u32 $0x1, s3;
	[smem:$0x7FF] =	sst s2;
	s16 =	smul.u32 $0x500, s21  }
0x6: {  	s13 =	sadd.s32 $0xA42600, s4;
	s17 =	sor.u32 $0x70, s21;
	s7 =	smul.u32 $0x27100, s9  }
0x7: {  	p0 =	sne.s32 s21, $0x0;
	s3 =	sshll.u32 s9, $0x4;
	s14 =	smul.u32 $0xA000, s17  }
0x8: {  	_ =	strace $0x8000004D;
	s8 =	ssub.s32 $0x2, s9;
	s15 =	smul.u32 $0x5000, s9  }
0x9: {  	p1 =	sgt.u32 s17, $0x7C;
	s17 =	simm.s32 $0x2;
	s22 =	sshrl.u32 @!p0 s1, $0x3  }
0xa: {  	s5 =	sor.u32 s21, s3;
	s10 =	sshrl.u32 s8, $0x1;
	s21 =	simm.s32 $0x3E00  }
0xb: {  	s3 =	sshll.u32 s5, $0xB;
	s5 =	smul.u32 $0x500, s5;
	s7 =	sadd.s32 s7, s4  }
0xc: {  	s8 =	ssub.s32 s8, s10;
	s10 =	sshrl.u32 s31, $0x2;
	s15 =	sadd.s32 s15, s13  }
0xd: {  	s18 =	sshrl.u32 s14, $0x2;
	s6 =	sadd.s32 s3, s4;
	s3 =	sadd.s32 $0x501800, s4  }
0xe: {  	s16 =	sadd.s32 s16, s15;
	s15 =	sadd.s32 s18, s1;
	s18 =	simm.s32 $0x4000  }
0xf: {  	s4 =	sadd.s32 $0xA32600, s6;
	s5 =	sadd.s32 s13, s5;
	s6 =	sadd.s32 $0x550600, s7  }
0x10: {  	s7 =	smax.u32 s8, $0x1;
	s8 =	sadd.s32 s10, s1;
	s16 =	sadd.s32 $0xA000, s16  }
0x11: {  	s9 =	sadd.s32 $0x28000, s8;
	s10 =	sadd.s32 $0x50000, s8;
	s11 =	sadd.s32 $0x78000, s8  }
0x12: {  	s12 =	sadd.s32 $0xA0000, s8;
	s13 =	sadd.s32 $0xC8000, s8;
	s14 =	sadd.s32 $0xF0000, s8  }
.LBB2_1:
0x13: {  	[tilespmem:s2], [sflag:$0x2] =	stream.linear.gather [hbm4b:s4+s2], $0x3E80, $0x38;
	[tilespmem:$0x1C880] =	vst v63  }
0x14: {  	_ =	swait.ge [sflag:s17], $0x3E80  }
0x15: {  	[sflag:s17] =	ssyncset.done $0x0  }
0x16: {  	[sflag:s17] =	ssyncadd.s32 $0xFFFFC180  }
0x17: {  	[tilespmem:s18], [sflag:$0x2] =	stream.linear.gather [hbm4b:s3+s2], $0x2800, $0x38;
	[tilespmem:$0x1C880] =	vst v63  }
0x18: {  	_ =	swait.ge [sflag:s17], $0x2800  }
0x19: {  	[sflag:s17] =	ssyncset.done $0x0  }
0x1a: {  	[sflag:s17] =	ssyncadd.s32 $0xFFFFD800  }
0x1b: {  	[spmem:s8] =	stream.linear.scatter [tilespmem:s18], [sflag:$0x2], $0x2800, $0x38;
	[tilespmem:$0x1C880] =	vst v63  }
0x1c: {  	_ =	swait.ge [sflag:s17], $0x2800  }
0x1d: {  	[sflag:s17] =	ssyncset.done $0x0  }
0x1e: {  	[sflag:s17] =	ssyncadd.s32 $0xFFFFD800  }
0x1f: {  	[spmem:s9] =	stream.linear.scatter [tilespmem:s18], [sflag:$0x2], $0x2800, $0x38;
	[tilespmem:$0x1C880] =	vst v63  }
0x20: {  	_ =	swait.ge [sflag:s17], $0x2800  }
0x21: {  	[sflag:s17] =	ssyncset.done $0x0  }
0x22: {  	[sflag:s17] =	ssyncadd.s32 $0xFFFFD800  }
0x23: {  	[spmem:s10] =	stream.linear.scatter [tilespmem:s18], [sflag:$0x2], $0x2800, $0x38;
	[tilespmem:$0x1C880] =	vst v63  }
0x24: {  	_ =	swait.ge [sflag:s17], $0x2800  }
0x25: {  	[sflag:s17] =	ssyncset.done $0x0  }
0x26: {  	[sflag:s17] =	ssyncadd.s32 $0xFFFFD800  }
0x27: {  	[spmem:s11] =	stream.linear.scatter [tilespmem:s18], [sflag:$0x2], $0x2800, $0x38;
	[tilespmem:$0x1C880] =	vst v63  }
0x28: {  	_ =	swait.ge [sflag:s17], $0x2800  }
0x29: {  	[sflag:s17] =	ssyncset.done $0x0  }
0x2a: {  	[sflag:s17] =	ssyncadd.s32 $0xFFFFD800  }
0x2b: {  	[spmem:s12] =	stream.linear.scatter [tilespmem:s18], [sflag:$0x2], $0x2800, $0x38;
	[tilespmem:$0x1C880] =	vst v63  }
0x2c: {  	_ =	swait.ge [sflag:s17], $0x2800  }
0x2d: {  	[sflag:s17] =	ssyncset.done $0x0  }
0x2e: {  	[sflag:s17] =	ssyncadd.s32 $0xFFFFD800  }
0x2f: {  	[spmem:s13] =	stream.linear.scatter [tilespmem:s18], [sflag:$0x2], $0x2800, $0x38;
	[tilespmem:$0x1C880] =	vst v63  }
0x30: {  	_ =	swait.ge [sflag:s17], $0x2800  }
0x31: {  	[sflag:s17] =	ssyncset.done $0x0  }
0x32: {  	[sflag:s17] =	ssyncadd.s32 $0xFFFFD800  }
0x33: {  	[spmem:s14] =	stream.linear.scatter [tilespmem:s18], [sflag:$0x2], $0x2800, $0x38;
	[tilespmem:$0x1C880] =	vst v63  }
0x34: {  	_ =	swait.ge [sflag:s17], $0x2800  }
0x35: {  	[sflag:s17] =	ssyncset.done $0x0  }
0x36: {  	s24 =	simm.s32 @!p1 $0x4000;
	[sflag:s17] =	ssyncadd.s32 $0xFFFFD800  }
0x37: {  	[spmem:s15] =	stream.linear.scatter @!p1 [tilespmem:s24], [sflag:$0x2], $0x2800, $0x38;
	[tilespmem:$0x1C880] =	vst v63  }
0x38: {  	s24 =	simm.s32 @!p1 $0x2  }
0x39: {  	_ =	swait.ge @!p1 [sflag:s24], $0x2800  }
0x3a: {  	s25 =	sand.u32 $0x1, s2;
	[sflag:s24] =	ssyncset.done @!p1 $0x0  }
0x3b: {  	s30 =	sxor.u32 $0x1, s25;
	[sflag:s24] =	ssyncadd.s32 @!p1 $0xFFFFD800  }
0x3c: {  	s24 =	smul.u32 $0xA000, s30;
	[bflag:$0x0] =	sbarrier.arrive $0xFFFF  }
0x3d: {  	[tilespmem:s18], [sflag:$0x1] =	stream.linear.gather [hbm4b:s5+s2], $0x2800, $0x38;
	[tilespmem:$0x1C880] =	vst v63  }
0x3e: {  	s24 =	sshrl.u32 s24, $0x2  }
0x3f: {  	s31 =	simm.s32 $0x1;
	s25 =	smul.u32 $0xA000, s25;
	s24 =	sor.u32 $0x4000, s24  }
0x40: {  	[tilespmem:s24], [sflag:$0x1] =	stream.linear.gather [hbm4b:s16+s2], $0x2800, $0x38;
	[tilespmem:$0x1C880] =	vst v63  }
0x41: {  	s25 =	sshrl.u32 s25, $0x2;
	s24 =	sand.u32 $0x1, s31;
	_ =	swait.ge [sflag:s19], $0x2800  }
0x42: {  	s29 =	sxor.u32 $0x1, s24;
	s26 =	smul.u32 $0xA000, s24;
	[sflag:s19] =	ssyncset.done $0x0  }
0x43: {  	s25 =	sor.u32 $0x4000, s25;
	s29 =	smul.u32 $0xA000, s29;
	[sflag:s19] =	ssyncadd.s32 $0xFFFFD800  }
0x44: {  	[spmem:s1] =	stream.indirect.scatter.add.f32 [tilespmem:s25], [sflag:$0x2], $0x80, s2, s20, $0xb8;
	[tilespmem:$0x1C880] =	vst v63  }
0x45: {  	s28 =	simm.s32 $0x2;
	s24 =	simm.s32 $0x80;
	s25 =	sadd.s32 $0xA000, s16  }
.LBB2_2:
0x46: {  	s29 =	sshrl.u32 s29, $0x2;
	s26 =	sshrl.u32 s26, $0x2  }
0x47: {  	_ =	swait.ge [sflag:s17], $0x2800;
	s30 =	smov.u32 s28;
	s31 =	smov.u32 s24  }
0x48: {  	s0 =	sadd.s32 $0x1, s28;
	s29 =	sor.u32 $0x4000, s29;
	[sflag:s17] =	ssyncset.done $0x0  }
0x49: {  	p2 =	sne.s32 s28, $0x7B;
	[sflag:s17] =	ssyncadd.s32 $0xFFFFD800  }
0x4a: {  	[tilespmem:s29], [sflag:$0x1] =	stream.linear.gather [hbm4b:s25+s2], $0x2800, $0x38;
	[tilespmem:$0x1C880] =	vst v63  }
.Ltmp0:
0x4b: {  	s24 =	sadd.s32 $0x80, s24;
	s25 =	sadd.s32 $0xA000, s25;
	(pc) =	sbr.rel @p2 .LBB2_2-.Ltmp0, $4  }
0x4c: {  	s28 =	sand.u32 $0x1, s30;
	s30 =	sor.u32 $0x4000, s26;
	_ =	swait.ge [sflag:s19], $0x2800  }
0x4d: {  	s26 =	smul.u32 $0xA000, s28;
	s29 =	sxor.u32 $0x1, s28;
	[sflag:s19] =	ssyncset.done $0x0  }
0x4e: {  	s28 =	smov.u32 s0;
	s29 =	smul.u32 $0xA000, s29;
	[sflag:s19] =	ssyncadd.s32 $0xFFFFD800  }
0x4f: {  	[spmem:s1] =	stream.indirect.scatter.add.f32 [tilespmem:s30], [sflag:$0x2], $0x80, s31, s20, $0xb8;
	[tilespmem:$0x1C880] =	vst v63  }
0x50: {  	_ =	swait.ge [sflag:s17], $0x2800  }
0x51: {  	s0 =	sshrl.u32 s29, $0x2;
	[sflag:s17] =	ssyncset.done $0x0  }
0x52: {  	s0 =	sor.u32 $0x4000, s0;
	[sflag:s17] =	ssyncadd.s32 $0xFFFFD800  }
0x53: {  	[tilespmem:s0], [sflag:$0x1] =	stream.linear.gather [hbm4b:s25+s2], $0x2800, $0x38;
	[tilespmem:$0x1C880] =	vst v63  }
0x54: {  	_ =	swait.ge [sflag:s19], $0x2800  }
0x55: {  	s31 =	sshrl.u32 s26, $0x2;
	[sflag:s19] =	ssyncset.done $0x0  }
0x56: {  	s0 =	sor.u32 $0x4000, s31;
	[sflag:s19] =	ssyncadd.s32 $0xFFFFD800  }
0x57: {  	[spmem:s1] =	stream.indirect.scatter.add.f32 [tilespmem:s0], [sflag:$0x2], $0x80, s24, s20, $0xb8;
	[tilespmem:$0x1C880] =	vst v63  }
0x58: {  	_ =	swait.ge [sflag:s17], $0x2800  }
0x59: {  	[sflag:s17] =	ssyncset.done $0x0  }
0x5a: {  	[sflag:s17] =	ssyncadd.s32 $0xFFFFD800  }
0x5b: {  	_ =	swait.ge [sflag:s19], $0x2800  }
0x5c: {  	[sflag:s19] =	ssyncset.done $0x0  }
0x5d: {  	[sflag:s19] =	ssyncadd.s32 $0xFFFFD800  }
0x5e: {  	[spmem:s1] =	stream.indirect.scatter.add.f32 [tilespmem:s18], [sflag:$0x2], $0x80, s21, s20, $0xb8;
	[tilespmem:$0x1C880] =	vst v63  }
0x5f: {  	_ =	swait.ge [sflag:s17], $0x2800  }
0x60: {  	[sflag:s17] =	ssyncset.done $0x0  }
0x61: {  	s23 =	sadd.s32 $0x1, s23;
	[sflag:s17] =	ssyncadd.s32 $0xFFFFD800  }
0x62: {  	p2 =	sne.s32 s23, s7;
	s0 =	simm.s32 @!p0 $0x1C02;
	[bflag:$0x0] =	sbarrier.arrive $0xFFFF  }
0x63: {  	[hbm:s6], [sflag:s0] =	dma.local @!p0 [spmem:s22], $0x27100  }
.Ltmp1:
0x64: {  	_ = 	snop;
	(pc) =	sbr.rel @p2 .LBB2_1-.Ltmp1, $4  }
0x65: {  	s0 =	simm.s32 @!p0 $0x2  }
0x66: {  	_ =	swait.ge @!p0 [sflag:s0], $0x27100  }
0x67: {  	[sflag:s0] =	ssyncset.done @!p0 $0x0  }
0x68: {  	[sflag:s0] =	ssyncadd.s32 @!p0 $0xFFFD8F00  }
0x69: {  	_ =	sfence.sel $0x180000  }
0x6a: {  	[bflag:$0x0] =	sbarrier.arrive $0xFFFF  }
0x6b: {  	_ =	strace $0x9000004D  }
0x6c: {  	[bflag:$0x2] =	sbarrier.arrive $0xFFFF  }
0x6d: {  	s0 =	rddreg [dreg:$0x2]  }
0x6e: {  	s0 =	sadd.s32 @!p0 $0x100000, s0  }
0x6f: {  	[sflag:s0] =	ssyncadd.tile.s32 @!p0 $0x1;
	_ =	shalt  }
.Lfunc_end2:
_tile_overlayer_lowered:
.L_overlay_start_2:
0x70: {  	(tag) =	ssettag $0x2  }
0x71: {  	s0 =	rddreg [dreg:$0x0];
	s2 =	stileid.u32  }
0x72: {  	s1 =	rddreg [dreg:$0x1];
	p0 =	sne.s32 s2, $0x0  }
0x73: {  	s3 =	rddreg [dreg:$0x2];
	[bflag:$0x3] =	sbarrier.arrive $0xFFFF;
	s2 =	simm.s32 @!p0 $0x1C02  }
0x74: {  	[timem:s3], [sflag:s2] =	dma.local @!p0 [hbm:s0], s1  }
0x75: {  	s0 =	simm.s32 @!p0 $0x2  }
0x76: {  	_ =	swait.ge @!p0 [sflag:s0], s1  }
0x77: {  	s1 =	ssub.s32 @!p0 $0x0, s1;
	[sflag:s0] =	ssyncset.done @!p0 $0x0  }
0x78: {  	[sflag:s0] =	ssyncadd.s32 @!p0 s1  }
0x79: {  	[bflag:$0x3] =	sbarrier.arrive $0xFFFF  }
0x7a: {  	_ =	shalt  }

// kernel: kernel.14.cloned.1.call-start
scs
__scs_entry_jumppad:
0x0: {  	(pc) =	sbr.rel $0x88, $3  }
0x1: {  	(tag) =	ssettag $0x0;
	lr =	simm.s32 $0x1  }
0x2: {  	[smem:$0x3F82] =	sst lr;
	_ =	strace $0xD0000000  }
0x3: {  	_ = 	snop  }
0x4: {  	_ = 	snop  }
0x5: {  	_ = 	snop  }
0x6: {  	_ = 	snop  }
0x7: {  	_ = 	snop  }
__scs_overlays_trampoline_lowered:
0x8: {  	[smem:$0x3F91] =	sst s0  }
0x9: {  	[smem:$0x3F92] =	sst s1  }
0xa: {  	[smem:$0x3F93] =	sst s2  }
0xb: {  	[smem:$0x3F94] =	sst s3  }
0xc: {  	[smem:$0x3F95] =	sst s4  }
0xd: {  	[smem:$0x3F96] =	sst s5  }
0xe: {  	[smem:$0x3F97] =	sst s6  }
0xf: {  	[smem:$0x3F98] =	sst s7  }
0x10: {  	[smem:$0x3F99] =	sst s8  }
0x11: {  	[smem:$0x3F9A] =	sst s9;
	s0 =	simm.s32 @!p0 $0x0  }
0x12: {  	s1 =	sld [smem:$0x3F80];
	s0 =	simm.s32 @p0 $0x1  }
0x13: {  	[smem:$0x3F9B] =	sst s0;
	s0 =	simm.s32 @!p1 $0x0  }
0x14: {  	s2 =	sld [smem:$0x3F7F];
	s0 =	simm.s32 @p1 $0x1  }
0x15: {  	[smem:$0x3F9C] =	sst s0;
	s0 =	simm.s32 @!p2 $0x0  }
0x16: {  	s3 =	sld [smem:$0x3FDB];
	s0 =	simm.s32 @p2 $0x1  }
0x17: {  	s4 =	simm.s32 $0x1BF5;
	[smem:$0x3F9E] =	sst s0  }
0x18: {  	s0 =	sld [smem:$0x3F81];
	_ =	swait.ge [sflag:s4], $0x0  }
0x19: {  	s7 =	sld [smem:$0x3F82]  }
0x1a: {  	s8 =	sadd.s32 $0xFFFFE003, lr  }
0x1b: {  	s9 =	sadd.s32 $0xFFFFFEF7, lr;
	s5 =	simm.s32 $0xFFFFFFFF;
	p2 =	slt.u32 s8, $0xFFFFF086  }
0x1c: {  	p1 =	slt.u32 s9, $0xF7A;
	s5 =	simm.s32 @!p2 $0x0  }
0x1d: {  	s5 =	simm.s32 @p1 $0x1;
	p0 =	seq.s32 s7, s2  }
0x1e: {  	s7 =	smul.u32 @!p0 $0xF7A, s2;
	p2 =	seq.s32 @!p0 s5, $0x0  }
0x1f: {  	s9 =	smul.u32 $0xF7A, s1;
	s8 =	simm.s32 @!p0 $0x1BF5;
	p2 =	por !p2, p0  }
0x20: {  	[sflag:s8] =	ssyncset.s32 @!p0 $0xFFFFF086;
	s6 =	sadd.s32 @!p0 s3, s7;
	s7 =	simm.s32 @!p0 $0x108  }
0x21: {  	s3 =	sadd.s32 s3, s9;
	s6 =	sadd.s32 @!p0 $0x88, s6;
	s7 =	simm.s32 @p2 $0x1082  }
0x22: {  	[simem:s7], [sflag:s8] =	dma.local @!p0 [hbm:s6], $0xF7A  }
0x23: {  	s9 =	sor.u32 $0xD0000000, s2;
	s6 =	simm.s32 $0x108;
	_ =	swait.ge @!p0 [sflag:s8], $0x0  }
0x24: {  	s3 =	sadd.s32 $0x88, s3;
	s6 =	simm.s32 @!p1 $0x1082;
	[sflag:s4] =	ssyncset.s32 $0xFFFFF086  }
0x25: {  	[simem:s6], [sflag:s4] =	dma.local [hbm:s3], $0xF7A  }
0x26: {  	[smem:$0x3F82] =	sst s1;
	(tag) =	ssettag s2;
	_ =	strace s9  }
0x27: {  	s1 =	sld [smem:$0x3F92]  }
0x28: {  	s2 =	sld [smem:$0x3F93]  }
0x29: {  	s4 =	sld [smem:$0x3F95]  }
0x2a: {  	p0 =	seq.s32 s5, $0x0;
	s5 =	sld [smem:$0x3F96]  }
0x2b: {  	s6 =	sld [smem:$0x3F97]  }
0x2c: {  	s7 =	sld [smem:$0x3F98]  }
0x2d: {  	s3 =	simm.s32 $0x108;
	s8 =	sld [smem:$0x3F99]  }
0x2e: {  	s3 =	simm.s32 @!p0 $0x1082;
	s9 =	sld [smem:$0x3F9A]  }
0x2f: {  	lr =	sadd.s32 s0, s3;
	s0 =	sld [smem:$0x3F91]  }
0x30: {  	s3 =	sld [smem:$0x3F94]  }
0x31: {  	[smem:$0x3F9D] =	sst s10  }
0x32: {  	s10 =	sld [smem:$0x3F9B];
	_ =	sdelay $0x3  }
0x33: {  	p0 =	seq.s32 s10, $0x1;
	s10 =	sld [smem:$0x3F9D];
	_ =	sdelay $0x3  }
0x34: {  	[smem:$0x3F9D] =	sst s10  }
0x35: {  	s10 =	sld [smem:$0x3F9C];
	_ =	sdelay $0x3  }
0x36: {  	p1 =	seq.s32 s10, $0x1;
	s10 =	sld [smem:$0x3F9D];
	_ =	sdelay $0x3  }
0x37: {  	[smem:$0x3F9D] =	sst s10  }
0x38: {  	s10 =	sld [smem:$0x3F9E]  }
0x39: {  	_ = 	snop;
	(pc) =	sbr.ind lr, $3  }
0x3a: {  	_ = 	snop  }
0x3b: {  	_ = 	snop  }
0x3c: {  	p2 =	seq.s32 s10, $0x1;
	s10 =	sld [smem:$0x3F9D]  }
0x3d: {  	_ =	shalt  }
0x3e: {  	_ =	shalt  }
0x3f: {  	_ =	shalt  }
0x40: {  	_ =	shalt  }
0x41: {  	_ =	shalt  }
0x42: {  	_ =	shalt  }
0x43: {  	_ =	shalt  }
0x44: {  	_ =	shalt  }
0x45: {  	_ =	shalt  }
0x46: {  	_ =	shalt  }
0x47: {  	_ =	shalt  }
0x48: {  	_ =	shalt  }
0x49: {  	_ =	shalt  }
0x4a: {  	_ =	shalt  }
0x4b: {  	_ =	shalt  }
0x4c: {  	_ =	shalt  }
0x4d: {  	_ =	shalt  }
0x4e: {  	_ =	shalt  }
0x4f: {  	_ =	shalt  }
0x50: {  	_ =	shalt  }
0x51: {  	_ =	shalt  }
0x52: {  	_ =	shalt  }
0x53: {  	_ =	shalt  }
0x54: {  	_ =	shalt  }
0x55: {  	_ =	shalt  }
0x56: {  	_ =	shalt  }
0x57: {  	_ =	shalt  }
0x58: {  	_ =	shalt  }
0x59: {  	_ =	shalt  }
0x5a: {  	_ =	shalt  }
0x5b: {  	_ =	shalt  }
0x5c: {  	_ =	shalt  }
0x5d: {  	_ =	shalt  }
0x5e: {  	_ =	shalt  }
0x5f: {  	_ =	shalt  }
0x60: {  	_ =	shalt  }
0x61: {  	_ =	shalt  }
0x62: {  	_ =	shalt  }
0x63: {  	_ =	shalt  }
0x64: {  	_ =	shalt  }
0x65: {  	_ =	shalt  }
0x66: {  	_ =	shalt  }
0x67: {  	_ =	shalt  }
0x68: {  	_ =	shalt  }
0x69: {  	_ =	shalt  }
0x6a: {  	_ =	shalt  }
0x6b: {  	_ =	shalt  }
0x6c: {  	_ =	shalt  }
0x6d: {  	_ =	shalt  }
0x6e: {  	_ =	shalt  }
0x6f: {  	_ =	shalt  }
0x70: {  	_ =	shalt  }
0x71: {  	_ =	shalt  }
0x72: {  	_ =	shalt  }
0x73: {  	_ =	shalt  }
0x74: {  	_ =	shalt  }
0x75: {  	_ =	shalt  }
0x76: {  	_ =	shalt  }
0x77: {  	_ =	shalt  }
0x78: {  	_ =	shalt  }
0x79: {  	_ =	shalt  }
0x7a: {  	_ =	shalt  }
0x7b: {  	_ =	shalt  }
0x7c: {  	_ =	shalt  }
0x7d: {  	_ =	shalt  }
0x7e: {  	_ =	shalt  }
0x7f: {  	_ =	shalt  }
0x80: {  	_ =	shalt  }
0x81: {  	_ =	shalt  }
0x82: {  	_ =	shalt  }
0x83: {  	_ =	shalt  }
0x84: {  	_ =	shalt  }
0x85: {  	_ =	shalt  }
0x86: {  	_ =	shalt  }
0x87: {  	_ =	shalt  }
.Lfunc_end0:
.L_simem_size_0:
called_computation.2_lowered:
.L_overlay_start_0:
0x88: {  	s2 =	sld [smem:$0x3FD9]  }
0x89: {  	s3 =	sld [smem:$0x3FFE];
	_ =	sdelay $0x1  }
0x8a: {  	s1 =	srdreg.scid  }
0x8b: {  	s0 =	sand.u32 $0x1, s1  }
0x8c: {  	s17 =	sshll.u32 s0, $0xA;
	s2 =	sadd.s32 s3, s2  }
0x8d: {  	s2 =	sadd.s32 s2, s17  }
0x8e: {  	[smem:$0x3FA9] =	sst s2  }
0x8f: {  	_ = 	snop  }
0x90: {  	(tm) =	ssettm $0x1  }
0x91: {  	s18 =	sld [smem:$0x3FFB];
	_ =	sdelay $0x3  }
0x92: {  	_ =	strace s18  }
0x93: {  	s2 =	sld [smem:$0x3FFC];
	_ =	sdelay $0x3  }
0x94: {  	_ =	strace s2  }
0x95: {  	s2 =	sld [smem:$0x3FFD];
	_ =	sdelay $0x3  }
0x96: {  	_ =	strace s2  }
0x97: {  	_ =	strace $0x8FFFFFFF  }
0x98: {  	s19 =	sld [smem:$0x3FDB];
	_ =	sdelay $0x1  }
0x99: {  	s20 =	simm.s32 $_scs_section_size  }
0x9a: {  	s4 =	simm.s32 $_size__tile_overlayer_lowered;
	s5 =	simm.s32 $_tile_overlayer_lowered  }
0x9b: {  	s6 =	simm.s32 $0x1BFF;
	s21 =	sshll.u32 s5, $0x1;
	s3 =	sadd.s32 s20, s19  }
0x9c: {  	s22 =	simm.s32 $0x0;
	s4 =	sshll.u32 s4, $0x1;
	s5 =	sadd.s32 s21, s3  }
0x9d: {  	[timem:s22], [sflag:s6] =	dma.local [hbm:s5], s4  }
0x9e: {  	_ =	swait.ge [sflag:s6], s4  }
0x9f: {  	s4 =	ssub.s32 $0x0, s4;
	[sflag:s6] =	ssyncset.done $0x0  }
0xa0: {  	[sflag:s6] =	ssyncadd.s32 s4;
	_ =	sdelay $0x1  }
0xa1: {  	s23 =	simm.s32 $0x1B8B  }
0xa2: {  	_ =	swait.ge [sflag:s23], $0x1  }
0xa3: {  	[sflag:s23] =	ssyncset.done $0x0  }
0xa4: {  	[sflag:s23] =	ssyncadd.s32 $0xFFFFFFFF  }
0xa5: {  	s4 =	sld [smem:$0x0]  }
0xa6: {  	s5 =	sand.u32 $0xFFFFFFFE, s1  }
0xa7: {  	p0 =	sne.s32 s1, s5  }
0xa8: {  	s5 =	sshll.u32 @p0 s5, $0xE  }
0xa9: {  	s5 =	sadd.s32 @p0 $0x11B8D, s5;
	s6 =	sshll.u32 @p0 s4, $0x11  }
0xaa: {  	s5 =	sor.u32 @p0 s6, s5  }
0xab: {  	[sflag:s5] =	ssyncadd.remote.s32 @p0 $0x1;
	_ =	sdelay $0x1  }
0xac: {  	s5 =	simm.s32 @p0 $0x1B8D  }
0xad: {  	_ =	swait.eq @p0 [sflag:s5], $0x1  }
0xae: {  	[sflag:s5] =	ssyncadd.s32 @p0 $0xFFFFFFFF  }
0xaf: {  	s6 =	sshll.u32 @!p0 s1, $0xE  }
0xb0: {  	s6 =	sor.u32 @!p0 $0x4000, s6;
	s5 =	simm.s32 @!p0 $0x1B8D  }
0xb1: {  	s4 =	sshll.u32 @!p0 s4, $0x11;
	s6 =	sadd.s32 @!p0 $0x11B8D, s6;
	_ =	swait.eq @!p0 [sflag:s5], $0x1  }
0xb2: {  	s4 =	sor.u32 @!p0 s4, s6;
	[sflag:s5] =	ssyncadd.s32 @!p0 $0xFFFFFFFF  }
0xb3: {  	s25 =	simm.s32 $0x1B8E;
	s24 =	sld [smem:$0x3FFE];
	[sflag:s4] =	ssyncadd.remote.s32 @!p0 $0x1  }
0xb4: {  	s26 =	simm.s32 $execute0_lowered;
	[smem:$0x3FD2] =	sst s25  }
0xb5: {  	s5 =	sshll.u32 s26, $0x1;
	_ =	strace $0x80000049;
	[dreg:$0x1] =	wrdreg $0xFFFFFFFF  }
0xb6: {  	s28 =	simm.s32 $_size_execute0_lowered;
	s3 =	sadd.s32 s3, s5;
	[dreg:$0x0] =	wrdreg $0x0  }
0xb7: {  	s5 =	sshll.u32 s28, $0x1;
	[dreg:$0x2] =	wrdreg s3  }
0xb8: {  	[dreg:$0x3] =	wrdreg s5  }
0xb9: {  	[dreg:$0x4] =	wrdreg $0xC0  }
0xba: {  	_ =	task [dreg:s22], $0x5FFFF  }
0xbb: {  	[dreg:$0x1] =	wrdreg $0xFFFFFFFF  }
0xbc: {  	[dreg:$0x0] =	wrdreg $0x60  }
0xbd: {  	[dreg:$0x2] =	wrdreg s24  }
0xbe: {  	[dreg:$0x3] =	wrdreg $0x28800  }
0xbf: {  	[dreg:$0x4] =	wrdreg $0x9  }
0xc0: {  	_ =	task.clear_ibuf [dreg:s22], $0x5FFFF;
	_ =	strace $0x90000049  }
0xc1: {  	s29 =	simm.s32 $0x9;
	_ =	strace $0x8000004B  }
0xc2: {  	_ =	swait.ge [sflag:s29], $0x1  }
0xc3: {  	[sflag:s29] =	ssyncadd.s32 $0xFFFFFFFF  }
0xc4: {  	_ =	strace $0x9000004B  }
0xc5: {  	_ =	sfence  }
0xc6: {  	s30 =	sld [smem:$0x0];
	_ =	sdelay $0x2  }
0xc7: {  	s31 =	sshll.u32 s1, $0xD;
	s1 =	sshrl.u32 s1, $0x2  }
0xc8: {  	s4 =	sand.u32 $0x4000, s31;
	s1 =	sadd.s32 s1, s30  }
0xc9: {  	s0 =	sor.u32 s4, s0;
	s1 =	sshll.u32 s1, $0x11  }
0xca: {  	s0 =	sor.u32 s1, s0  }
0xcb: {  	s0 =	sadd.s32 $0x8F2B, s0  }
0xcc: {  	[sflag:s0] =	ssyncadd.remote.s32 $0x1  }
0xcd: {  	_ =	sfence.sel $0xFFFF  }
0xce: {  	[dreg:$0x0] =	wrdreg $0xFFFFFFFF;
	(pc) =	sbr.abs _section_cstart, $3  }
0xcf: {  	[dreg:$0x1] =	wrdreg $0xFFFFFFFF  }
0xd0: {  	_ =	task.clear_ibuf [dreg:s22], $0x2FFFF;
	_ =	strace $0x9FFFFFFF  }
0xd1: {  	(tm) =	ssettm $0x7FFFFFFF  }
tec
execute0_lowered:
.L_overlay_start_1:
0x0: {  	(tag) =	ssettag $0x1  }
0x1: {  	s5 =	rddreg [dreg:$0x0]  }
0x2: {  	s0 =	srdreg.scid;
	s1 =	rddreg [dreg:$0x1];
	s2 =	simm.s32 $0x0  }
0x3: {  	s18 =	stileid.u32;
	s3 =	sand.u32 $0x1, s0;
	s0 =	rddreg [dreg:$0x2]  }
0x4: {  	s20 =	simm.s32 $0x0;
	[smem:$0x7FF] =	sst s2;
	s9 =	smul.u32 $0xA000, s18  }
0x5: {  	s16 =	sor.u32 $0x70, s18;
	s17 =	smul.u32 $0xA, s18;
	p0 =	sne.s32 s18, $0x0  }
0x6: {  	s18 =	simm.s32 $0x50;
	s4 =	smul.u32 $0xA0, s3;
	_ =	strace $0x8000004A  }
0x7: {  	s6 =	smul.u32 $0x27100, s3;
	s7 =	ssub.s32 $0x2, s3;
	s3 =	sadd.s32 $0x501800, s5  }
0x8: {  	s15 =	smul.u32 $0xA000, s16;
	p1 =	sgt.u32 s16, $0x7C;
	s16 =	simm.s32 $0x80  }
0x9: {  	s19 =	sshrl.u32 @!p0 s1, $0x3;
	s8 =	sshrl.u32 s7, $0x1;
	s31 =	sshrl.u32 s9, $0x2  }
0xa: {  	s14 =	sadd.s32 s4, s5;
	s4 =	sadd.s32 $0x501E00, s5;
	s5 =	sadd.s32 s6, s5  }
0xb: {  	s30 =	ssub.s32 s7, s8;
	s7 =	sadd.s32 s31, s1;
	s15 =	sshrl.u32 s15, $0x2  }
0xc: {  	s5 =	sadd.s32 $0x502400, s5;
	s6 =	smax.u32 s30, $0x1;
	s8 =	sadd.s32 $0x28000, s7  }
0xd: {  	s9 =	sadd.s32 $0x50000, s7;
	s10 =	sadd.s32 $0x78000, s7;
	s11 =	sadd.s32 $0xA0000, s7  }
0xe: {  	s12 =	sadd.s32 $0xC8000, s7;
	s13 =	sadd.s32 $0xF0000, s7;
	s17 =	sadd.s32 s17, s14  }
0xf: {  	s14 =	sadd.s32 s15, s1;
	s15 =	sadd.s32 $0x5A00, s17;
	s17 =	simm.s32 $0x1  }
.LBB2_1:
0x10: {  	[tilespmem:s16], [sflag:$0x1] =	stream.linear.gather [hbm4b:s3+s2], $0x2800, $0x38;
	[tilespmem:$0x16100] =	vst v63  }
0x11: {  	_ =	swait.ge [sflag:s17], $0x2800  }
0x12: {  	[sflag:s17] =	ssyncset.done $0x0  }
0x13: {  	[sflag:s17] =	ssyncadd.s32 $0xFFFFD800  }
0x14: {  	[spmem:s7] =	stream.linear.scatter [tilespmem:s16], [sflag:$0x1], $0x2800, $0x38;
	[tilespmem:$0x16100] =	vst v63  }
0x15: {  	_ =	swait.ge [sflag:s17], $0x2800  }
0x16: {  	[sflag:s17] =	ssyncset.done $0x0  }
0x17: {  	[sflag:s17] =	ssyncadd.s32 $0xFFFFD800  }
0x18: {  	[spmem:s8] =	stream.linear.scatter [tilespmem:s16], [sflag:$0x1], $0x2800, $0x38;
	[tilespmem:$0x16100] =	vst v63  }
0x19: {  	_ =	swait.ge [sflag:s17], $0x2800  }
0x1a: {  	[sflag:s17] =	ssyncset.done $0x0  }
0x1b: {  	[sflag:s17] =	ssyncadd.s32 $0xFFFFD800  }
0x1c: {  	[spmem:s9] =	stream.linear.scatter [tilespmem:s16], [sflag:$0x1], $0x2800, $0x38;
	[tilespmem:$0x16100] =	vst v63  }
0x1d: {  	_ =	swait.ge [sflag:s17], $0x2800  }
0x1e: {  	[sflag:s17] =	ssyncset.done $0x0  }
0x1f: {  	[sflag:s17] =	ssyncadd.s32 $0xFFFFD800  }
0x20: {  	[spmem:s10] =	stream.linear.scatter [tilespmem:s16], [sflag:$0x1], $0x2800, $0x38;
	[tilespmem:$0x16100] =	vst v63  }
0x21: {  	_ =	swait.ge [sflag:s17], $0x2800  }
0x22: {  	[sflag:s17] =	ssyncset.done $0x0  }
0x23: {  	[sflag:s17] =	ssyncadd.s32 $0xFFFFD800  }
0x24: {  	[spmem:s11] =	stream.linear.scatter [tilespmem:s16], [sflag:$0x1], $0x2800, $0x38;
	[tilespmem:$0x16100] =	vst v63  }
0x25: {  	_ =	swait.ge [sflag:s17], $0x2800  }
0x26: {  	[sflag:s17] =	ssyncset.done $0x0  }
0x27: {  	[sflag:s17] =	ssyncadd.s32 $0xFFFFD800  }
0x28: {  	[spmem:s12] =	stream.linear.scatter [tilespmem:s16], [sflag:$0x1], $0x2800, $0x38;
	[tilespmem:$0x16100] =	vst v63  }
0x29: {  	_ =	swait.ge [sflag:s17], $0x2800  }
0x2a: {  	[sflag:s17] =	ssyncset.done $0x0  }
0x2b: {  	[sflag:s17] =	ssyncadd.s32 $0xFFFFD800  }
0x2c: {  	[spmem:s13] =	stream.linear.scatter [tilespmem:s16], [sflag:$0x1], $0x2800, $0x38;
	[tilespmem:$0x16100] =	vst v63  }
0x2d: {  	_ =	swait.ge [sflag:s17], $0x2800  }
0x2e: {  	[sflag:s17] =	ssyncset.done $0x0  }
0x2f: {  	s21 =	simm.s32 @!p1 $0x80;
	[sflag:s17] =	ssyncadd.s32 $0xFFFFD800  }
0x30: {  	[spmem:s14] =	stream.linear.scatter @!p1 [tilespmem:s21], [sflag:$0x1], $0x2800, $0x38;
	[tilespmem:$0x16100] =	vst v63  }
0x31: {  	s21 =	simm.s32 @!p1 $0x1  }
0x32: {  	_ =	swait.ge @!p1 [sflag:s21], $0x2800  }
0x33: {  	[sflag:s21] =	ssyncset.done @!p1 $0x0  }
0x34: {  	[sflag:s21] =	ssyncadd.s32 @!p1 $0xFFFFD800  }
0x35: {  	[tilespmem:s16], [sflag:$0x1] =	stream.linear.gather [hbm4b:s4+s2], $0x2800, $0x38;
	[tilespmem:$0x16100] =	vst v63  }
0x36: {  	_ =	swait.ge [sflag:s17], $0x2800  }
0x37: {  	[sflag:s17] =	ssyncset.done $0x0  }
0x38: {  	[sflag:s17] =	ssyncadd.s32 $0xFFFFD800  }
0x39: {  	s31 =	sadd.s32 $0x0, s15;
	[bflag:$0x0] =	sbarrier.arrive $0xFFFF  }
0x3a: {  	[tilespmem:s2], [sflag:$0x1] =	stream.linear.gather [hbm4b:s31+s2], $0x50, $0x38;
	[tilespmem:$0x16100] =	vst v63  }
0x3b: {  	_ =	swait.ge [sflag:s17], $0x50  }
0x3c: {  	[sflag:s17] =	ssyncset.done $0x0  }
0x3d: {  	[sflag:s17] =	ssyncadd.s32 $0xFFFFFFB0  }
0x3e: {  	[spmem:s1] =	stream.indirect.scatter.add.f32 [tilespmem:s16], [sflag:$0x1], $0x80, s2, s18, $0xb8;
	[tilespmem:$0x16100] =	vst v63  }
0x3f: {  	_ =	swait.ge [sflag:s17], $0x2800  }
0x40: {  	s22 =	simm.s32 $0x280;
	s21 =	simm.s32 $0x140;
	[sflag:s17] =	ssyncset.done $0x0  }
.LBB2_2:
0x41: {  	s23 =	sadd.s32 s21, s15  }
0x42: {  	[sflag:s17] =	ssyncadd.s32 $0xFFFFD800;
	s21 =	smov.u32 s22;
	s24 =	sadd.s32 $0x140, s22  }
0x43: {  	[tilespmem:s2], [sflag:$0x1] =	stream.linear.gather [hbm4b:s23+s2], $0x50, $0x38;
	[tilespmem:$0x16100] =	vst v63  }
0x44: {  	p2 =	sne.s32 s22, $0x9B00;
	_ =	swait.ge [sflag:s17], $0x50  }
.Ltmp0:
0x45: {  	[sflag:s17] =	ssyncset.done $0x0;
	(pc) =	sbr.rel @p2 .LBB2_2-.Ltmp0, $4  }
0x46: {  	[sflag:s17] =	ssyncadd.s32 $0xFFFFFFB0  }
0x47: {  	[spmem:s1] =	stream.indirect.scatter.add.f32 [tilespmem:s16], [sflag:$0x1], $0x80, s2, s18, $0xb8;
	[tilespmem:$0x16100] =	vst v63  }
0x48: {  	_ =	swait.ge [sflag:s17], $0x2800  }
0x49: {  	s22 =	smov.u32 s24;
	[sflag:s17] =	ssyncset.done $0x0  }
0x4a: {  	s21 =	sadd.s32 s21, s15;
	[sflag:s17] =	ssyncadd.s32 $0xFFFFD800  }
0x4b: {  	[tilespmem:s2], [sflag:$0x1] =	stream.linear.gather [hbm4b:s21+s2], $0x50, $0x38;
	[tilespmem:$0x16100] =	vst v63  }
0x4c: {  	_ =	swait.ge [sflag:s17], $0x50  }
0x4d: {  	[sflag:s17] =	ssyncset.done $0x0  }
0x4e: {  	[sflag:s17] =	ssyncadd.s32 $0xFFFFFFB0  }
0x4f: {  	[spmem:s1] =	stream.indirect.scatter.add.f32 [tilespmem:s16], [sflag:$0x1], $0x80, s2, s18, $0xb8;
	[tilespmem:$0x16100] =	vst v63  }
0x50: {  	_ =	swait.ge [sflag:s17], $0x2800  }
0x51: {  	[sflag:s17] =	ssyncset.done $0x0  }
0x52: {  	s20 =	sadd.s32 $0x1, s20;
	[sflag:s17] =	ssyncadd.s32 $0xFFFFD800  }
0x53: {  	s21 =	simm.s32 @!p0 $0x1C01;
	p2 =	sne.s32 s20, s6;
	[bflag:$0x0] =	sbarrier.arrive $0xFFFF  }
0x54: {  	[hbm:s5], [sflag:s21] =	dma.local @!p0 [spmem:s19], $0x27100  }
.Ltmp1:
0x55: {  	_ = 	snop;
	(pc) =	sbr.rel @p2 .LBB2_1-.Ltmp1, $4  }
0x56: {  	s21 =	simm.s32 @!p0 $0x1  }
0x57: {  	_ =	swait.ge @!p0 [sflag:s21], $0x27100  }
0x58: {  	[sflag:s21] =	ssyncset.done @!p0 $0x0  }
0x59: {  	[sflag:s21] =	ssyncadd.s32 @!p0 $0xFFFD8F00  }
0x5a: {  	_ =	sfence.sel $0x180000  }
0x5b: {  	[bflag:$0x0] =	sbarrier.arrive $0xFFFF  }
0x5c: {  	_ =	strace $0x9000004A  }
0x5d: {  	s0 =	sadd.s32 @!p0 $0x100000, s0;
	[bflag:$0x2] =	sbarrier.arrive $0xFFFF  }
0x5e: {  	[sflag:s0] =	ssyncadd.tile.s32 @!p0 $0x1;
	_ =	shalt  }
.Lfunc_end2:
_tile_overlayer_lowered:
.L_overlay_start_2:
0x5f: {  	(tag) =	ssettag $0x2  }
0x60: {  	s0 =	rddreg [dreg:$0x0];
	s2 =	stileid.u32  }
0x61: {  	s1 =	rddreg [dreg:$0x1];
	p0 =	sne.s32 s2, $0x0  }
0x62: {  	s3 =	rddreg [dreg:$0x2];
	[bflag:$0x3] =	sbarrier.arrive $0xFFFF;
	s2 =	simm.s32 @!p0 $0x1C01  }
0x63: {  	[timem:s3], [sflag:s2] =	dma.local @!p0 [hbm:s0], s1  }
0x64: {  	s0 =	simm.s32 @!p0 $0x1  }
0x65: {  	_ =	swait.ge @!p0 [sflag:s0], s1  }
0x66: {  	s1 =	ssub.s32 @!p0 $0x0, s1;
	[sflag:s0] =	ssyncset.done @!p0 $0x0  }
0x67: {  	[sflag:s0] =	ssyncadd.s32 @!p0 s1  }
0x68: {  	[bflag:$0x3] =	sbarrier.arrive $0xFFFF  }
0x69: {  	_ =	shalt  }

// kernel: kernel.8.cloned.1.call-start
scs
__scs_entry_jumppad:
0x0: {  	(pc) =	sbr.rel $0x88, $3  }
0x1: {  	(tag) =	ssettag $0x0;
	lr =	simm.s32 $0x1  }
0x2: {  	[smem:$0x3F82] =	sst lr;
	_ =	strace $0xD0000000  }
0x3: {  	_ = 	snop  }
0x4: {  	_ = 	snop  }
0x5: {  	_ = 	snop  }
0x6: {  	_ = 	snop  }
0x7: {  	_ = 	snop  }
__scs_overlays_trampoline_lowered:
0x8: {  	[smem:$0x3F91] =	sst s0  }
0x9: {  	[smem:$0x3F92] =	sst s1  }
0xa: {  	[smem:$0x3F93] =	sst s2  }
0xb: {  	[smem:$0x3F94] =	sst s3  }
0xc: {  	[smem:$0x3F95] =	sst s4  }
0xd: {  	[smem:$0x3F96] =	sst s5  }
0xe: {  	[smem:$0x3F97] =	sst s6  }
0xf: {  	[smem:$0x3F98] =	sst s7  }
0x10: {  	[smem:$0x3F99] =	sst s8  }
0x11: {  	[smem:$0x3F9A] =	sst s9;
	s0 =	simm.s32 @!p0 $0x0  }
0x12: {  	s1 =	sld [smem:$0x3F80];
	s0 =	simm.s32 @p0 $0x1  }
0x13: {  	[smem:$0x3F9B] =	sst s0;
	s0 =	simm.s32 @!p1 $0x0  }
0x14: {  	s2 =	sld [smem:$0x3F7F];
	s0 =	simm.s32 @p1 $0x1  }
0x15: {  	[smem:$0x3F9C] =	sst s0;
	s0 =	simm.s32 @!p2 $0x0  }
0x16: {  	s3 =	sld [smem:$0x3FDB];
	s0 =	simm.s32 @p2 $0x1  }
0x17: {  	s4 =	simm.s32 $0x1BF5;
	[smem:$0x3F9E] =	sst s0  }
0x18: {  	s0 =	sld [smem:$0x3F81];
	_ =	swait.ge [sflag:s4], $0x0  }
0x19: {  	s7 =	sld [smem:$0x3F82]  }
0x1a: {  	s8 =	sadd.s32 $0xFFFFE003, lr  }
0x1b: {  	s9 =	sadd.s32 $0xFFFFFEF7, lr;
	s5 =	simm.s32 $0xFFFFFFFF;
	p2 =	slt.u32 s8, $0xFFFFF086  }
0x1c: {  	p1 =	slt.u32 s9, $0xF7A;
	s5 =	simm.s32 @!p2 $0x0  }
0x1d: {  	s5 =	simm.s32 @p1 $0x1;
	p0 =	seq.s32 s7, s2  }
0x1e: {  	s7 =	smul.u32 @!p0 $0xF7A, s2;
	p2 =	seq.s32 @!p0 s5, $0x0  }
0x1f: {  	s9 =	smul.u32 $0xF7A, s1;
	s8 =	simm.s32 @!p0 $0x1BF5;
	p2 =	por !p2, p0  }
0x20: {  	[sflag:s8] =	ssyncset.s32 @!p0 $0xFFFFF086;
	s6 =	sadd.s32 @!p0 s3, s7;
	s7 =	simm.s32 @!p0 $0x108  }
0x21: {  	s3 =	sadd.s32 s3, s9;
	s6 =	sadd.s32 @!p0 $0x88, s6;
	s7 =	simm.s32 @p2 $0x1082  }
0x22: {  	[simem:s7], [sflag:s8] =	dma.local @!p0 [hbm:s6], $0xF7A  }
0x23: {  	s9 =	sor.u32 $0xD0000000, s2;
	s6 =	simm.s32 $0x108;
	_ =	swait.ge @!p0 [sflag:s8], $0x0  }
0x24: {  	s3 =	sadd.s32 $0x88, s3;
	s6 =	simm.s32 @!p1 $0x1082;
	[sflag:s4] =	ssyncset.s32 $0xFFFFF086  }
0x25: {  	[simem:s6], [sflag:s4] =	dma.local [hbm:s3], $0xF7A  }
0x26: {  	[smem:$0x3F82] =	sst s1;
	(tag) =	ssettag s2;
	_ =	strace s9  }
0x27: {  	s1 =	sld [smem:$0x3F92]  }
0x28: {  	s2 =	sld [smem:$0x3F93]  }
0x29: {  	s4 =	sld [smem:$0x3F95]  }
0x2a: {  	p0 =	seq.s32 s5, $0x0;
	s5 =	sld [smem:$0x3F96]  }
0x2b: {  	s6 =	sld [smem:$0x3F97]  }
0x2c: {  	s7 =	sld [smem:$0x3F98]  }
0x2d: {  	s3 =	simm.s32 $0x108;
	s8 =	sld [smem:$0x3F99]  }
0x2e: {  	s3 =	simm.s32 @!p0 $0x1082;
	s9 =	sld [smem:$0x3F9A]  }
0x2f: {  	lr =	sadd.s32 s0, s3;
	s0 =	sld [smem:$0x3F91]  }
0x30: {  	s3 =	sld [smem:$0x3F94]  }
0x31: {  	[smem:$0x3F9D] =	sst s10  }
0x32: {  	s10 =	sld [smem:$0x3F9B];
	_ =	sdelay $0x3  }
0x33: {  	p0 =	seq.s32 s10, $0x1;
	s10 =	sld [smem:$0x3F9D];
	_ =	sdelay $0x3  }
0x34: {  	[smem:$0x3F9D] =	sst s10  }
0x35: {  	s10 =	sld [smem:$0x3F9C];
	_ =	sdelay $0x3  }
0x36: {  	p1 =	seq.s32 s10, $0x1;
	s10 =	sld [smem:$0x3F9D];
	_ =	sdelay $0x3  }
0x37: {  	[smem:$0x3F9D] =	sst s10  }
0x38: {  	s10 =	sld [smem:$0x3F9E]  }
0x39: {  	_ = 	snop;
	(pc) =	sbr.ind lr, $3  }
0x3a: {  	_ = 	snop  }
0x3b: {  	_ = 	snop  }
0x3c: {  	p2 =	seq.s32 s10, $0x1;
	s10 =	sld [smem:$0x3F9D]  }
0x3d: {  	_ =	shalt  }
0x3e: {  	_ =	shalt  }
0x3f: {  	_ =	shalt  }
0x40: {  	_ =	shalt  }
0x41: {  	_ =	shalt  }
0x42: {  	_ =	shalt  }
0x43: {  	_ =	shalt  }
0x44: {  	_ =	shalt  }
0x45: {  	_ =	shalt  }
0x46: {  	_ =	shalt  }
0x47: {  	_ =	shalt  }
0x48: {  	_ =	shalt  }
0x49: {  	_ =	shalt  }
0x4a: {  	_ =	shalt  }
0x4b: {  	_ =	shalt  }
0x4c: {  	_ =	shalt  }
0x4d: {  	_ =	shalt  }
0x4e: {  	_ =	shalt  }
0x4f: {  	_ =	shalt  }
0x50: {  	_ =	shalt  }
0x51: {  	_ =	shalt  }
0x52: {  	_ =	shalt  }
0x53: {  	_ =	shalt  }
0x54: {  	_ =	shalt  }
0x55: {  	_ =	shalt  }
0x56: {  	_ =	shalt  }
0x57: {  	_ =	shalt  }
0x58: {  	_ =	shalt  }
0x59: {  	_ =	shalt  }
0x5a: {  	_ =	shalt  }
0x5b: {  	_ =	shalt  }
0x5c: {  	_ =	shalt  }
0x5d: {  	_ =	shalt  }
0x5e: {  	_ =	shalt  }
0x5f: {  	_ =	shalt  }
0x60: {  	_ =	shalt  }
0x61: {  	_ =	shalt  }
0x62: {  	_ =	shalt  }
0x63: {  	_ =	shalt  }
0x64: {  	_ =	shalt  }
0x65: {  	_ =	shalt  }
0x66: {  	_ =	shalt  }
0x67: {  	_ =	shalt  }
0x68: {  	_ =	shalt  }
0x69: {  	_ =	shalt  }
0x6a: {  	_ =	shalt  }
0x6b: {  	_ =	shalt  }
0x6c: {  	_ =	shalt  }
0x6d: {  	_ =	shalt  }
0x6e: {  	_ =	shalt  }
0x6f: {  	_ =	shalt  }
0x70: {  	_ =	shalt  }
0x71: {  	_ =	shalt  }
0x72: {  	_ =	shalt  }
0x73: {  	_ =	shalt  }
0x74: {  	_ =	shalt  }
0x75: {  	_ =	shalt  }
0x76: {  	_ =	shalt  }
0x77: {  	_ =	shalt  }
0x78: {  	_ =	shalt  }
0x79: {  	_ =	shalt  }
0x7a: {  	_ =	shalt  }
0x7b: {  	_ =	shalt  }
0x7c: {  	_ =	shalt  }
0x7d: {  	_ =	shalt  }
0x7e: {  	_ =	shalt  }
0x7f: {  	_ =	shalt  }
0x80: {  	_ =	shalt  }
0x81: {  	_ =	shalt  }
0x82: {  	_ =	shalt  }
0x83: {  	_ =	shalt  }
0x84: {  	_ =	shalt  }
0x85: {  	_ =	shalt  }
0x86: {  	_ =	shalt  }
0x87: {  	_ =	shalt  }
.Lfunc_end0:
.L_simem_size_0:
called_computation_lowered:
.L_overlay_start_0:
0x88: {  	s2 =	sld [smem:$0x3FD9]  }
0x89: {  	s3 =	sld [smem:$0x3FFE];
	_ =	sdelay $0x1  }
0x8a: {  	s1 =	srdreg.scid  }
0x8b: {  	s0 =	sand.u32 $0x1, s1  }
0x8c: {  	s17 =	sshll.u32 s0, $0xA;
	s2 =	sadd.s32 s3, s2  }
0x8d: {  	s2 =	sadd.s32 s2, s17  }
0x8e: {  	[smem:$0x3FA9] =	sst s2  }
0x8f: {  	_ = 	snop  }
0x90: {  	s2 =	sld [smem:$0x3FD0];
	(tm) =	ssettm $0x1  }
0x91: {  	s18 =	sld [smem:$0x3FFB];
	_ =	sdelay $0x3  }
0x92: {  	_ =	strace s18  }
0x93: {  	s3 =	sld [smem:$0x3FFC];
	_ =	sdelay $0x3  }
0x94: {  	_ =	strace s3  }
0x95: {  	s3 =	sld [smem:$0x3FFD];
	_ =	sdelay $0x3  }
0x96: {  	_ =	strace s3  }
0x97: {  	_ =	strace $0x8FFFFFFF  }
0x98: {  	s19 =	sld [smem:$0x3FDB];
	_ =	sdelay $0x1  }
0x99: {  	s4 =	simm.s32 $_scs_section_size  }
0x9a: {  	s5 =	simm.s32 $_size__tile_overlayer_lowered;
	s6 =	simm.s32 $_tile_overlayer_lowered  }
0x9b: {  	s22 =	simm.s32 $0x1BFF;
	s21 =	sshll.u32 s6, $0x1;
	s3 =	sadd.s32 s4, s19  }
0x9c: {  	s7 =	simm.s32 $0x0;
	s20 =	sshll.u32 s5, $0x1;
	s5 =	sadd.s32 s21, s3  }
0x9d: {  	[timem:s7], [sflag:s22] =	dma.local [hbm:s5], s20  }
0x9e: {  	_ =	swait.ge [sflag:s22], s20  }
0x9f: {  	s4 =	ssub.s32 $0x0, s20;
	[sflag:s22] =	ssyncset.done $0x0  }
0xa0: {  	[sflag:s22] =	ssyncadd.s32 s4;
	_ =	sdelay $0x1  }
0xa1: {  	s23 =	simm.s32 $0x1B8B  }
0xa2: {  	_ =	swait.ge [sflag:s23], $0x1  }
0xa3: {  	[sflag:s23] =	ssyncset.done $0x0  }
0xa4: {  	s25 =	simm.s32 $0x1B8E;
	s24 =	sld [smem:$0x3FFE];
	[sflag:s23] =	ssyncadd.s32 $0xFFFFFFFF  }
0xa5: {  	s26 =	simm.s32 $execute0_lowered;
	[smem:$0x3FD2] =	sst s25  }
0xa6: {  	s5 =	sshll.u32 s26, $0x1;
	_ =	strace $0x80000046;
	[dreg:$0x1] =	wrdreg $0xFFFFFFFF  }
0xa7: {  	s28 =	simm.s32 $_size_execute0_lowered;
	s3 =	sadd.s32 s3, s5;
	[dreg:$0x0] =	wrdreg $0x0  }
0xa8: {  	s5 =	sshll.u32 s28, $0x1;
	[dreg:$0x2] =	wrdreg s3  }
0xa9: {  	[dreg:$0x3] =	wrdreg s5  }
0xaa: {  	[dreg:$0x4] =	wrdreg $0xC0  }
0xab: {  	_ =	task [dreg:s7], $0x5FFFF  }
0xac: {  	[dreg:$0x1] =	wrdreg $0xFFFFFFFF  }
0xad: {  	[dreg:$0x0] =	wrdreg $0x60  }
0xae: {  	[dreg:$0x2] =	wrdreg s2  }
0xaf: {  	[dreg:$0x3] =	wrdreg s24  }
0xb0: {  	[dreg:$0x4] =	wrdreg $0x90000  }
0xb1: {  	[dreg:$0x5] =	wrdreg $0xA  }
0xb2: {  	_ =	task.clear_ibuf [dreg:s7], $0x6FFFF;
	_ =	strace $0x90000046  }
0xb3: {  	s29 =	simm.s32 $0xA;
	_ =	strace $0x80000048  }
0xb4: {  	_ =	swait.ge [sflag:s29], $0x1  }
0xb5: {  	[sflag:s29] =	ssyncadd.s32 $0xFFFFFFFF  }
0xb6: {  	_ =	strace $0x90000048  }
0xb7: {  	_ =	sfence  }
0xb8: {  	s30 =	sld [smem:$0x0];
	_ =	sdelay $0x2  }
0xb9: {  	s31 =	sshll.u32 s1, $0xD;
	s1 =	sshrl.u32 s1, $0x2  }
0xba: {  	s3 =	sand.u32 $0x4000, s31;
	s1 =	sadd.s32 s1, s30  }
0xbb: {  	s0 =	sor.u32 s3, s0;
	s1 =	sshll.u32 s1, $0x11  }
0xbc: {  	s0 =	sor.u32 s1, s0  }
0xbd: {  	s0 =	sadd.s32 $0x8F2B, s0  }
0xbe: {  	[sflag:s0] =	ssyncadd.remote.s32 $0x1  }
0xbf: {  	_ =	sfence.sel $0xFFFF  }
0xc0: {  	[dreg:$0x0] =	wrdreg $0xFFFFFFFF;
	(pc) =	sbr.abs _section_cstart, $3  }
0xc1: {  	[dreg:$0x1] =	wrdreg $0xFFFFFFFF  }
0xc2: {  	_ =	task.clear_ibuf [dreg:s7], $0x2FFFF;
	_ =	strace $0x9FFFFFFF  }
0xc3: {  	(tm) =	ssettm $0x7FFFFFFF  }
tec
execute0_lowered:
.L_overlay_start_1:
0x0: {  	(tag) =	ssettag $0x1  }
0x1: {  	s13 =	stileid.u32  }
0x2: {  	s6 =	smul.u32 $0xA000, s13  }
0x3: {  	s15 =	smul.u32 $0x500, s13;
	s7 =	sor.u32 $0x10, s13  }
0x4: {  	s16 =	smul.u32 $0xA000, s7  }
0x5: {  	s0 =	rddreg [dreg:$0x0];
	s8 =	sor.u32 $0x20, s13;
	s7 =	smul.u32 $0x500, s7  }
0x6: {  	s1 =	rddreg [dreg:$0x1];
	s17 =	smul.u32 $0xA000, s8  }
0x7: {  	s2 =	rddreg [dreg:$0x2];
	s10 =	sor.u32 $0x30, s13;
	s8 =	smul.u32 $0x500, s8  }
0x8: {  	s4 =	srdreg.scid;
	s18 =	smul.u32 $0xA000, s10  }
0x9: {  	s3 =	simm.s32 $0x0;
	s23 =	sor.u32 $0x40, s13;
	s10 =	smul.u32 $0x500, s10  }
0xa: {  	s28 =	simm.s32 $0x1;
	s29 =	simm.s32 $0x0;
	s19 =	smul.u32 $0xA000, s23  }
0xb: {  	s4 =	sand.u32 $0x1, s4;
	s20 =	sor.u32 $0x50, s13;
	s25 =	smul.u32 $0x500, s23  }
0xc: {  	[smem:$0x7FF] =	sst s3;
	s22 =	sor.u32 $0x60, s13;
	s26 =	smul.u32 $0x500, s20  }
0xd: {  	s5 =	sshll.u32 s4, $0x4;
	_ =	strace $0x80000047;
	s12 =	smul.u32 $0x500, s22  }
0xe: {  	s9 =	ssub.s32 $0x2, s4;
	s23 =	sor.u32 $0x70, s13;
	s4 =	smul.u32 $0x5000, s4  }
0xf: {  	s22 =	smul.u32 $0xA000, s22;
	s14 =	sor.u32 s13, s5;
	s11 =	sshrl.u32 s9, $0x1  }
0x10: {  	s6 =	sshrl.u32 s6, $0x2;
	s13 =	smul.u32 $0x500, s23;
	p0 =	sgt.u32 s23, $0x7C  }
0x11: {  	s5 =	sshll.u32 s14, $0xB;
	s9 =	ssub.s32 s9, s11;
	s21 =	sadd.s32 s6, s2  }
0x12: {  	s30 =	sadd.s32 s0, s7;
	s31 =	sadd.s32 s0, s8;
	s8 =	sadd.s32 s0, s10  }
0x13: {  	s10 =	sadd.s32 s0, s26;
	s11 =	sadd.s32 s0, s12;
	s6 =	smul.u32 $0xA000, s20  }
0x14: {  	s16 =	sshrl.u32 s16, $0x2;
	s17 =	sshrl.u32 s17, $0x2;
	s14 =	smul.u32 $0x500, s14  }
0x15: {  	s18 =	sshrl.u32 s18, $0x2;
	s19 =	sshrl.u32 s19, $0x2;
	s26 =	smul.u32 $0xA000, s23  }
0x16: {  	s5 =	sadd.s32 s5, s1;
	s1 =	sadd.s32 $0x1F800, s1;
	[dreg:$0x6] =	wrdreg s30  }
0x17: {  	s24 =	smax.u32 s9, $0x1;
	[dreg:$0x7] =	wrdreg s31;
	s9 =	sadd.s32 s0, s25  }
0x18: {  	s12 =	sadd.s32 s0, s13;
	s13 =	sadd.s32 s0, s15;
	s7 =	sadd.s32 s16, s2  }
0x19: {  	s30 =	sadd.s32 s18, s2;
	s25 =	sadd.s32 s19, s2;
	s31 =	sshrl.u32 s22, $0x2  }
0x1a: {  	s16 =	simm.s32 $0x2;
	s5 =	sadd.s32 $0xF800, s5;
	[dreg:$0x5] =	wrdreg s24  }
0x1b: {  	s24 =	sadd.s32 s17, s2;
	s14 =	sadd.s32 s1, s14;
	s1 =	sadd.s32 s4, s1  }
0x1c: {  	s0 =	sshrl.u32 s6, $0x2;
	s4 =	sshrl.u32 s26, $0x2;
	s26 =	sadd.s32 s31, s2  }
0x1d: {  	s17 =	sshrl.u32 s21, $0x3;
	s18 =	sshrl.u32 s7, $0x3;
	s20 =	sshrl.u32 s30, $0x3  }
0x1e: {  	s21 =	sshrl.u32 s25, $0x3;
	s25 =	simm.s32 $0x50;
	[dreg:$0x4] =	wrdreg s5  }
0x1f: {  	s0 =	sadd.s32 s0, s2;
	s4 =	sadd.s32 s4, s2;
	s14 =	sadd.s32 $0x4D8000, s14  }
0x20: {  	s15 =	sadd.s32 s15, s1;
	s19 =	sshrl.u32 s24, $0x3;
	s23 =	sshrl.u32 s26, $0x3  }
0x21: {  	s26 =	simm.s32 $0x4000;
	s22 =	sshrl.u32 s0, $0x3;
	s24 =	sshrl.u32 @!p0 s4, $0x3  }
.LBB2_1:
0x22: {  	s0 =	rddreg [dreg:$0x4]  }
0x23: {  	[tilespmem:s3], [sflag:$0x2] =	stream.linear.gather [hbm4b:s0+s3], $0x3E80, $0x38;
	[tilespmem:$0x1C880] =	vst v63  }
0x24: {  	s5 =	stileid.u32;
	_ =	swait.ge [sflag:s16], $0x3E80  }
0x25: {  	s0 =	sshll.u32 s5, $0x6;
	[sflag:s16] =	ssyncset.done $0x0  }
0x26: {  	s0 =	sor.u32 $0x1C02, s0;
	[sflag:s16] =	ssyncadd.s32 $0xFFFFC180  }
0x27: {  	[spmem:s17], [sflag:s0] =	dma.local [hbm:s13], $0x500  }
0x28: {  	_ =	swait.ge [sflag:s16], $0x500  }
0x29: {  	[sflag:s16] =	ssyncset.done $0x0  }
0x2a: {  	s1 =	rddreg [dreg:$0x6];
	[sflag:s16] =	ssyncadd.s32 $0xFFFFFB00  }
0x2b: {  	[spmem:s18], [sflag:s0] =	dma.local [hbm:s1], $0x500  }
0x2c: {  	_ =	swait.ge [sflag:s16], $0x500  }
0x2d: {  	[sflag:s16] =	ssyncset.done $0x0  }
0x2e: {  	s6 =	rddreg [dreg:$0x7];
	[sflag:s16] =	ssyncadd.s32 $0xFFFFFB00  }
0x2f: {  	[spmem:s19], [sflag:s0] =	dma.local [hbm:s6], $0x500  }
0x30: {  	_ =	swait.ge [sflag:s16], $0x500  }
0x31: {  	[sflag:s16] =	ssyncset.done $0x0  }
0x32: {  	[sflag:s16] =	ssyncadd.s32 $0xFFFFFB00  }
0x33: {  	[spmem:s20], [sflag:s0] =	dma.local [hbm:s8], $0x500  }
0x34: {  	_ =	swait.ge [sflag:s16], $0x500  }
0x35: {  	[sflag:s16] =	ssyncset.done $0x0  }
0x36: {  	[sflag:s16] =	ssyncadd.s32 $0xFFFFFB00  }
0x37: {  	[spmem:s21], [sflag:s0] =	dma.local [hbm:s9], $0x500  }
0x38: {  	_ =	swait.ge [sflag:s16], $0x500  }
0x39: {  	[sflag:s16] =	ssyncset.done $0x0  }
0x3a: {  	[sflag:s16] =	ssyncadd.s32 $0xFFFFFB00  }
0x3b: {  	[spmem:s22], [sflag:s0] =	dma.local [hbm:s10], $0x500  }
0x3c: {  	_ =	swait.ge [sflag:s16], $0x500  }
0x3d: {  	[sflag:s16] =	ssyncset.done $0x0  }
0x3e: {  	[sflag:s16] =	ssyncadd.s32 $0xFFFFFB00  }
0x3f: {  	[spmem:s23], [sflag:s0] =	dma.local [hbm:s11], $0x500  }
0x40: {  	_ =	swait.ge [sflag:s16], $0x500  }
0x41: {  	[sflag:s16] =	ssyncset.done $0x0  }
0x42: {  	[sflag:s16] =	ssyncadd.s32 $0xFFFFFB00  }
0x43: {  	[spmem:s24], [sflag:s0] =	dma.local @!p0 [hbm:s12], $0x500  }
0x44: {  	s0 =	simm.s32 @!p0 $0x2  }
0x45: {  	_ =	swait.ge @!p0 [sflag:s0], $0x500  }
0x46: {  	s7 =	sand.u32 $0x1, s3;
	[sflag:s0] =	ssyncset.done @!p0 $0x0  }
0x47: {  	s5 =	sxor.u32 $0x1, s7;
	[sflag:s0] =	ssyncadd.s32 @!p0 $0xFFFFFB00  }
0x48: {  	s0 =	smul.u32 $0xA000, s5;
	[bflag:$0x0] =	sbarrier.arrive $0xFFFF  }
0x49: {  	[tilespmem:s26], [sflag:$0x1] =	stream.indirect.gather [spmem:s2], $0x80, s3, s25, $0xb8;
	[tilespmem:$0x1C880] =	vst v63  }
0x4a: {  	s4 =	simm.s32 $0x80;
	s0 =	sshrl.u32 s0, $0x2  }
0x4b: {  	s1 =	smul.u32 $0xA000, s7;
	s6 =	simm.s32 $0x1;
	s0 =	sor.u32 $0x4000, s0  }
0x4c: {  	[tilespmem:s0], [sflag:$0x1] =	stream.indirect.gather [spmem:s2], $0x80, s4, s25, $0xb8;
	[tilespmem:$0x1C880] =	vst v63  }
0x4d: {  	s1 =	sshrl.u32 s1, $0x2;
	s0 =	sand.u32 $0x1, s6;
	_ =	swait.ge [sflag:s28], $0x2800  }
0x4e: {  	s7 =	sxor.u32 $0x1, s0;
	s0 =	smul.u32 $0xA000, s0;
	[sflag:s28] =	ssyncset.done $0x0  }
0x4f: {  	s1 =	sor.u32 $0x4000, s1;
	s4 =	smul.u32 $0xA000, s7;
	[sflag:s28] =	ssyncadd.s32 $0xFFFFD800  }
0x50: {  	[hbm4b:s15+s3] =	stream.linear.scatter [tilespmem:s1], [sflag:$0x2], $0x2800, $0x38;
	[tilespmem:$0x1C880] =	vst v63  }
0x51: {  	s31 =	simm.s32 $0x100;
	s30 =	sadd.s32 $0xA000, s15;
	s1 =	simm.s32 $0x2  }
.LBB2_2:
0x52: {  	s4 =	sshrl.u32 s4, $0x2;
	s0 =	sshrl.u32 s0, $0x2  }
0x53: {  	_ =	swait.ge [sflag:s16], $0x2800;
	s5 =	smov.u32 s1;
	s6 =	smov.u32 s30  }
0x54: {  	s7 =	sadd.s32 $0x1, s1;
	s4 =	sor.u32 $0x4000, s4;
	[sflag:s16] =	ssyncset.done $0x0  }
0x55: {  	p1 =	sne.s32 s1, $0x7B;
	[sflag:s16] =	ssyncadd.s32 $0xFFFFD800  }
0x56: {  	[tilespmem:s4], [sflag:$0x1] =	stream.indirect.gather [spmem:s2], $0x80, s31, s25, $0xb8;
	[tilespmem:$0x1C880] =	vst v63  }
.Ltmp0:
0x57: {  	s30 =	sadd.s32 $0xA000, s30;
	s31 =	sadd.s32 $0x80, s31;
	(pc) =	sbr.rel @p1 .LBB2_2-.Ltmp0, $4  }
0x58: {  	s1 =	sand.u32 $0x1, s5;
	s5 =	sor.u32 $0x4000, s0;
	_ =	swait.ge [sflag:s28], $0x2800  }
0x59: {  	s0 =	smul.u32 $0xA000, s1;
	s4 =	sxor.u32 $0x1, s1;
	[sflag:s28] =	ssyncset.done $0x0  }
0x5a: {  	s1 =	smov.u32 s7;
	s4 =	smul.u32 $0xA000, s4;
	[sflag:s28] =	ssyncadd.s32 $0xFFFFD800  }
0x5b: {  	[hbm4b:s6+s3] =	stream.linear.scatter [tilespmem:s5], [sflag:$0x2], $0x2800, $0x38;
	[tilespmem:$0x1C880] =	vst v63  }
0x5c: {  	_ =	swait.ge [sflag:s16], $0x2800  }
0x5d: {  	s1 =	sshrl.u32 s4, $0x2;
	[sflag:s16] =	ssyncset.done $0x0  }
0x5e: {  	s1 =	sor.u32 $0x4000, s1;
	[sflag:s16] =	ssyncadd.s32 $0xFFFFD800  }
0x5f: {  	[tilespmem:s1], [sflag:$0x1] =	stream.indirect.gather [spmem:s2], $0x80, s31, s25, $0xb8;
	[tilespmem:$0x1C880] =	vst v63  }
0x60: {  	_ =	swait.ge [sflag:s28], $0x2800  }
0x61: {  	s0 =	sshrl.u32 s0, $0x2;
	[sflag:s28] =	ssyncset.done $0x0  }
0x62: {  	s0 =	sor.u32 $0x4000, s0;
	[sflag:s28] =	ssyncadd.s32 $0xFFFFD800  }
0x63: {  	[hbm4b:s30+s3] =	stream.linear.scatter [tilespmem:s0], [sflag:$0x2], $0x2800, $0x38;
	[tilespmem:$0x1C880] =	vst v63  }
0x64: {  	_ =	swait.ge [sflag:s16], $0x2800  }
0x65: {  	[sflag:s16] =	ssyncset.done $0x0  }
0x66: {  	[sflag:s16] =	ssyncadd.s32 $0xFFFFD800  }
0x67: {  	_ =	swait.ge [sflag:s28], $0x2800  }
0x68: {  	[sflag:s28] =	ssyncset.done $0x0  }
0x69: {  	[sflag:s28] =	ssyncadd.s32 $0xFFFFD800  }
0x6a: {  	[hbm4b:s14+s3] =	stream.linear.scatter [tilespmem:s26], [sflag:$0x2], $0x2800, $0x38;
	[tilespmem:$0x1C880] =	vst v63  }
0x6b: {  	_ =	swait.ge [sflag:s16], $0x2800  }
0x6c: {  	s29 =	sadd.s32 $0x1, s29;
	s31 =	rddreg [dreg:$0x5]  }
0x6d: {  	p1 =	sne.s32 s29, s31  }
.Ltmp1:
0x6e: {  	_ = 	snop;
	(pc) =	sbr.rel @p1 .LBB2_1-.Ltmp1, $3  }
0x6f: {  	_ =	sdelay $0x1  }
0x70: {  	[sflag:s16] =	ssyncset.done $0x0  }
0x71: {  	[sflag:s16] =	ssyncadd.s32 $0xFFFFD800  }
0x72: {  	_ =	sfence.sel $0x180000  }
0x73: {  	[bflag:$0x0] =	sbarrier.arrive $0xFFFF  }
0x74: {  	_ =	strace $0x90000047  }
0x75: {  	s0 =	stileid.u32;
	[bflag:$0x2] =	sbarrier.arrive $0xFFFF  }
0x76: {  	p0 =	sne.s32 s0, $0x0;
	s0 =	rddreg [dreg:$0x3]  }
0x77: {  	s0 =	sadd.s32 @!p0 $0x100000, s0  }
0x78: {  	[sflag:s0] =	ssyncadd.tile.s32 @!p0 $0x1;
	_ =	shalt  }
.Lfunc_end2:
_tile_overlayer_lowered:
.L_overlay_start_2:
0x79: {  	(tag) =	ssettag $0x2  }
0x7a: {  	s0 =	rddreg [dreg:$0x0];
	s2 =	stileid.u32  }
0x7b: {  	s1 =	rddreg [dreg:$0x1];
	p0 =	sne.s32 s2, $0x0  }
0x7c: {  	s3 =	rddreg [dreg:$0x2];
	[bflag:$0x3] =	sbarrier.arrive $0xFFFF;
	s2 =	simm.s32 @!p0 $0x1C02  }
0x7d: {  	[timem:s3], [sflag:s2] =	dma.local @!p0 [hbm:s0], s1  }
0x7e: {  	s0 =	simm.s32 @!p0 $0x2  }
0x7f: {  	_ =	swait.ge @!p0 [sflag:s0], s1  }
0x80: {  	s1 =	ssub.s32 @!p0 $0x0, s1;
	[sflag:s0] =	ssyncset.done @!p0 $0x0  }
0x81: {  	[sflag:s0] =	ssyncadd.s32 @!p0 s1  }
0x82: {  	[bflag:$0x3] =	sbarrier.arrive $0xFFFF  }
0x83: {  	_ =	shalt  }

</sc_bundles>
